<compile_context>
chip_gen: v7x
topology: tpu7x:2x2x1
jax: 0.10.2.dev20260603
libtpu: 0.0.44.dev20260713+nightly
codegen_flags: <defaults>
</compile_context>

<pallas_src>
import jax
import jax.numpy as jnp
from jax import lax
from jax.experimental import pallas as pl
from jax.experimental.pallas import tpu as pltpu
from jax.experimental.pallas import tpu_sc as plsc

_NC = 2
_NS = 16
_NW = _NC * _NS
_LANES = 16

_BATCH = 4096
_HIST = 200
_EMBED = 64
_HIDDEN = 128
_BPW = _BATCH // _NW
_NV = _EMBED // _LANES

_G = 2
_NG = _BPW // _G
_GIDX = _G * _HIST
_GCHUNKS = ((0, 128), (128, 128), (256, 128), (384, 16))


def _gather_group(xv, table_hbm, buf, sem, g):
    base = g * _GIDX
    for off, n in _GCHUNKS:
        pltpu.async_copy(
            table_hbm.at[xv.at[pl.ds(base + off, n)]],
            buf.at[pl.ds(off, n)],
            sem,
        )


def _wait_group(xv, table_hbm, buf, sem, g):
    base = g * _GIDX
    for off, n in _GCHUNKS:
        pltpu.make_async_copy(
            table_hbm.at[xv.at[pl.ds(base + off, n)]],
            buf.at[pl.ds(off, n)],
            sem,
        ).wait()


def _reduce_group(buf, outv, out_row):
    scale = jnp.float32(1.0 / _HIST)
    for r in range(_G):
        rbase = r * _HIST

        def body(li, acc, rbase=rbase):
            res = acc
            for u in range(4):
                row = rbase + li * 4 + u
                res = tuple(
                    res[i] + buf[row, pl.ds(_LANES * i, _LANES)]
                    for i in range(_NV)
                )
            return res

        acc = lax.fori_loop(
            0, _HIST // 4, body,
            tuple(jnp.zeros((_LANES,), jnp.float32) for _ in range(_NV)),
        )
        for i in range(_NV):
            outv[out_row + r, pl.ds(_LANES * i, _LANES)] = acc[i] * scale


def _pool_body(xflat_hbm, table_hbm, out_hbm, xv, buf0, buf1, outv,
               sem0, sem1):
    wid = lax.axis_index("s") * _NC + lax.axis_index("c")
    base = wid * _BPW
    pltpu.sync_copy(xflat_hbm.at[pl.ds(base * _HIST, _BPW * _HIST)], xv)

    _gather_group(xv, table_hbm, buf0, sem0, 0)

    def outer(k, carry):
        g_even = 2 * k
        g_odd = g_even + 1
        _gather_group(xv, table_hbm, buf1, sem1, g_odd)
        _wait_group(xv, table_hbm, buf0, sem0, g_even)
        _reduce_group(buf0, outv, g_even * _G)
        g_next = jnp.minimum(g_even + 2, _NG - 2)
        _gather_group(xv, table_hbm, buf0, sem0, g_next)
        _wait_group(xv, table_hbm, buf1, sem1, g_odd)
        _reduce_group(buf1, outv, g_odd * _G)
        return carry

    lax.fori_loop(0, _NG // 2, outer, 0)
    _wait_group(xv, table_hbm, buf0, sem0, _NG - 2)

    pltpu.sync_copy(outv, out_hbm.at[pl.ds(base, _BPW)])


def _sc_pool(xflat, table):
    mesh = plsc.VectorSubcoreMesh(core_axis_name="c", subcore_axis_name="s")
    f = pl.kernel(
        _pool_body,
        out_type=jax.ShapeDtypeStruct((_BATCH, _EMBED), jnp.float32),
        mesh=mesh,
        scratch_types=[
            pltpu.VMEM((_BPW * _HIST,), jnp.int32),
            pltpu.VMEM((_GIDX, _EMBED), jnp.float32),
            pltpu.VMEM((_GIDX, _EMBED), jnp.float32),
            pltpu.VMEM((_BPW, _EMBED), jnp.float32),
            pltpu.SemaphoreType.DMA,
            pltpu.SemaphoreType.DMA,
        ],
        compiler_params=pltpu.CompilerParams(use_tc_tiling_on_sc=False),
    )
    return f(xflat, table)


_VOCAB = 1000000
_TBLK = 4096
_TGRID = -(-_VOCAB // (2 * _TBLK))
_VOCAB_PAD = _TGRID * 2 * _TBLK


def _tr_body(t0_ref, t1_ref, o_ref):
    o_ref[:, 0:_EMBED] = t0_ref[...].T
    o_ref[:, _EMBED:2 * _EMBED] = t1_ref[...].T


def _tc_transpose(tableT):
    return pl.pallas_call(
        _tr_body,
        grid=(_TGRID,),
        in_specs=[
            pl.BlockSpec((_EMBED, _TBLK), lambda i: (0, 2 * i)),
            pl.BlockSpec(
                (_EMBED, _TBLK),
                lambda i: (0, jnp.minimum(2 * i + 1, _VOCAB // _TBLK - 1))),
        ],
        out_specs=pl.BlockSpec((_TBLK, 2 * _EMBED), lambda i: (i, 0)),
        out_shape=jax.ShapeDtypeStruct((_TGRID * _TBLK, 2 * _EMBED),
                                       jnp.float32),
    )(tableT, tableT)


def _mm_body(p_ref, w_ref, b_ref, o_ref):
    o_ref[...] = (
        jnp.dot(p_ref[...], w_ref[...], preferred_element_type=jnp.float32)
        + b_ref[...]
    )


def _tc_matmul(pooled, W, b):
    blk = 512
    return pl.pallas_call(
        _mm_body,
        grid=(_BATCH // blk,),
        in_specs=[
            pl.BlockSpec((blk, _EMBED), lambda i: (i, 0)),
            pl.BlockSpec((_EMBED, _HIDDEN), lambda i: (0, 0)),
            pl.BlockSpec((1, _HIDDEN), lambda i: (0, 0)),
        ],
        out_specs=pl.BlockSpec((blk, _HIDDEN), lambda i: (i, 0)),
        out_shape=jax.ShapeDtypeStruct((_BATCH, _HIDDEN), jnp.float32),
    )(pooled, W, b.reshape(1, _HIDDEN))


def kernel(x, table, W, b):
    xflat = x.astype(jnp.int32).reshape(-1)
    table_rm = _tc_transpose(table.T).reshape(_VOCAB_PAD, _EMBED)
    blk_id = xflat >> 12
    blk_off = xflat & (_TBLK - 1)
    xg = ((blk_id >> 1) << 13) | (blk_off << 1) | (blk_id & 1)
    pooled = _sc_pool(xg, table_rm)
    return _tc_matmul(pooled, W, b)

# --- scband reference (transcript-rebuilt; emitter-appended) ---
"""Pipeline reference for scband-text-matching-model-84439057039884 (READ-ONLY COPY).

The authoritative reference and input builder live on the scoring server;
editing this copy changes nothing except your own understanding.
"""

import jax, jax.numpy as jnp
import numpy as np

VOCAB = 1000000
EMBED_DIM = 64
HIDDEN_DIM = 128
BATCH = 4096
HIST = 200

def setup_inputs(seed: int = 0) -> dict:
    key = jax.random.key(seed)
    k1, k2, k3, k4 = jax.random.split(key, 4)
    x = jax.random.randint(k1, (BATCH, HIST), 0, VOCAB, dtype=jnp.int64 if jax.config.jax_enable_x64 else jnp.int32)
    table = jax.random.normal(k2, (VOCAB, EMBED_DIM), dtype=jnp.float32)
    W = jax.random.normal(k3, (EMBED_DIM, HIDDEN_DIM), dtype=jnp.float32) * (1.0 / np.sqrt(EMBED_DIM))
    b = jax.random.normal(k4, (HIDDEN_DIM,), dtype=jnp.float32) * 0.01
    return {"x": x, "table": table, "W": W, "b": b}

def reference(x, table, W, b):
    embedded = jnp.take(table, x, axis=0)          # [B, L, D] gather (embedding lookup)
    pooled = jnp.mean(embedded, axis=1)            # [B, D]
    output = pooled @ W + b                        # [B, H]
    return output

if __name__ == "__main__":
    import jax
    _d = setup_inputs()
    print(jax.jit(kernel)(*tuple(_d.values())))

</pallas_src>

<mosaic_0001>
#map = affine_map<(d0, d1) -> (0)>
#map1 = affine_map<(d0, d1) -> (0, 0)>
module attributes {stable_mosaic.version = 14 : i64} {
  func.func @_pool_body(%arg0: i32, %arg1: i32, %arg2: memref<819200xi32, #tpu.memory_space<hbm>>, %arg3: memref<1007616x64xf32, #tpu.memory_space<hbm>>, %arg4: memref<4096x64xf32, #tpu.memory_space<hbm>>, %arg5: memref<25600xi32, #tpu.memory_space<vmem>>, %arg6: memref<400x64xf32, #tpu.memory_space<vmem>>, %arg7: memref<400x64xf32, #tpu.memory_space<vmem>>, %arg8: memref<128x64xf32, #tpu.memory_space<vmem>>, %arg9: memref<!tpu.dma_semaphore, #tpu.memory_space<semaphore_mem>>, %arg10: memref<!tpu.dma_semaphore, #tpu.memory_space<semaphore_mem>>) attributes {dimension_semantics = [#tpu.dimension_semantics<core_parallel>, #tpu.dimension_semantics<subcore_parallel>], iteration_bounds = array<i64: 2, 16>, scalar_prefetch = 0 : i64, scratch_operands = 6 : i64, tpu.core_type = #tpu.core_type<sc_vector_subcore>, window_params = [{transform_indices = #map}, {transform_indices = #map1}, {transform_indices = #map1}]} {
    %mul3A = arith.constant 2 : i32
    %mul3A_0 = arith.muli %arg1, %mul3A : i32
    %add3A = arith.addi %mul3A_0, %arg0 : i32
    %mul3A_1 = arith.constant 128 : i32
    %mul3A_2 = arith.muli %add3A, %mul3A_1 : i32
    %mul3A_3 = arith.constant 200 : i32
    %mul3A_4 = arith.muli %mul3A_2, %mul3A_3 : i32
    "tpu.region"() ({
      %run_scoped3A = tpu.sem_alloc : memref<!tpu.dma_semaphore, #tpu.memory_space<semaphore_mem>>
      %dma_start3A_72 = tpu.memref_slice %arg2[%mul3A_4] : memref<819200xi32, #tpu.memory_space<hbm>> -> memref<25600xi32, #tpu.memory_space<hbm>>
      %dma_start3A_73 = tpu.memref_slice %arg2[%mul3A_4] : memref<819200xi32, #tpu.memory_space<hbm>> -> memref<25600xi32, #tpu.memory_space<hbm>>
      tpu.enqueue_dma source(%dma_start3A_73 : memref<25600xi32, #tpu.memory_space<hbm>>) target(%arg5 : memref<25600xi32, #tpu.memory_space<vmem>>) target_semaphore(%run_scoped3A : memref<!tpu.dma_semaphore, #tpu.memory_space<semaphore_mem>>)
      %dma_wait3A_74 = tpu.memref_slice %arg2[%mul3A_4] : memref<819200xi32, #tpu.memory_space<hbm>> -> memref<25600xi32, #tpu.memory_space<hbm>>
      %dma_wait3A_75 = tpu.memref_slice %arg2[%mul3A_4] : memref<819200xi32, #tpu.memory_space<hbm>> -> memref<25600xi32, #tpu.memory_space<hbm>>
      tpu.wait_dma2 semaphore(%run_scoped3A : memref<!tpu.dma_semaphore, #tpu.memory_space<semaphore_mem>>) src(%dma_wait3A_75 : memref<25600xi32, #tpu.memory_space<hbm>>) dst(%arg5 : memref<25600xi32, #tpu.memory_space<vmem>>)
      tpu.yield
    }) : () -> ()
    %dma_start3A = arith.constant 0 : i32
    %dma_start3A_5 = arith.constant 0 : i32
    %dma_start3A_6 = tpu.memref_slice %arg6[%dma_start3A, %dma_start3A_5] : memref<400x64xf32, #tpu.memory_space<vmem>> -> memref<128x64xf32, #tpu.memory_space<vmem>>
    %dma_start3A_7 = arith.constant 0 : i32
    %dma_start3A_8 = tpu.memref_slice %arg5[%dma_start3A_7] : memref<25600xi32, #tpu.memory_space<vmem>> -> memref<128xi32, #tpu.memory_space<vmem>>
    %dma_start3A_9 = arith.constant 0 : i32
    %dma_start3A_10 = arith.constant 0 : i32
    %dma_start3A_11 = tpu.memref_slice %arg3[%dma_start3A_9, %dma_start3A_10] : memref<1007616x64xf32, #tpu.memory_space<hbm>> -> memref<1007616x64xf32, #tpu.memory_space<hbm>>
    tpu.enqueue_indirect_dma source(%dma_start3A_11 : memref<1007616x64xf32, #tpu.memory_space<hbm>>) target(%dma_start3A_6 : memref<128x64xf32, #tpu.memory_space<vmem>>) offsets(%dma_start3A_8 : memref<128xi32, #tpu.memory_space<vmem>>) semaphore(%arg9 : memref<!tpu.dma_semaphore, #tpu.memory_space<semaphore_mem>>)
    %dma_start3A_12 = arith.constant 128 : i32
    %dma_start3A_13 = arith.constant 0 : i32
    %dma_start3A_14 = tpu.memref_slice %arg6[%dma_start3A_12, %dma_start3A_13] : memref<400x64xf32, #tpu.memory_space<vmem>> -> memref<128x64xf32, #tpu.memory_space<vmem>>
    %dma_start3A_15 = arith.constant 128 : i32
    %dma_start3A_16 = tpu.memref_slice %arg5[%dma_start3A_15] : memref<25600xi32, #tpu.memory_space<vmem>> -> memref<128xi32, #tpu.memory_space<vmem>>
    %dma_start3A_17 = arith.constant 0 : i32
    %dma_start3A_18 = arith.constant 0 : i32
    %dma_start3A_19 = tpu.memref_slice %arg3[%dma_start3A_17, %dma_start3A_18] : memref<1007616x64xf32, #tpu.memory_space<hbm>> -> memref<1007616x64xf32, #tpu.memory_space<hbm>>
    tpu.enqueue_indirect_dma source(%dma_start3A_19 : memref<1007616x64xf32, #tpu.memory_space<hbm>>) target(%dma_start3A_14 : memref<128x64xf32, #tpu.memory_space<vmem>>) offsets(%dma_start3A_16 : memref<128xi32, #tpu.memory_space<vmem>>) semaphore(%arg9 : memref<!tpu.dma_semaphore, #tpu.memory_space<semaphore_mem>>)
    %dma_start3A_20 = arith.constant 256 : i32
    %dma_start3A_21 = arith.constant 0 : i32
    %dma_start3A_22 = tpu.memref_slice %arg6[%dma_start3A_20, %dma_start3A_21] : memref<400x64xf32, #tpu.memory_space<vmem>> -> memref<128x64xf32, #tpu.memory_space<vmem>>
    %dma_start3A_23 = arith.constant 256 : i32
    %dma_start3A_24 = tpu.memref_slice %arg5[%dma_start3A_23] : memref<25600xi32, #tpu.memory_space<vmem>> -> memref<128xi32, #tpu.memory_space<vmem>>
    %dma_start3A_25 = arith.constant 0 : i32
    %dma_start3A_26 = arith.constant 0 : i32
    %dma_start3A_27 = tpu.memref_slice %arg3[%dma_start3A_25, %dma_start3A_26] : memref<1007616x64xf32, #tpu.memory_space<hbm>> -> memref<1007616x64xf32, #tpu.memory_space<hbm>>
    tpu.enqueue_indirect_dma source(%dma_start3A_27 : memref<1007616x64xf32, #tpu.memory_space<hbm>>) target(%dma_start3A_22 : memref<128x64xf32, #tpu.memory_space<vmem>>) offsets(%dma_start3A_24 : memref<128xi32, #tpu.memory_space<vmem>>) semaphore(%arg9 : memref<!tpu.dma_semaphore, #tpu.memory_space<semaphore_mem>>)
    %dma_start3A_28 = arith.constant 384 : i32
    %dma_start3A_29 = arith.constant 0 : i32
    %dma_start3A_30 = tpu.memref_slice %arg6[%dma_start3A_28, %dma_start3A_29] : memref<400x64xf32, #tpu.memory_space<vmem>> -> memref<16x64xf32, #tpu.memory_space<vmem>>
    %dma_start3A_31 = arith.constant 384 : i32
    %dma_start3A_32 = tpu.memref_slice %arg5[%dma_start3A_31] : memref<25600xi32, #tpu.memory_space<vmem>> -> memref<16xi32, #tpu.memory_space<vmem>>
    %dma_start3A_33 = arith.constant 0 : i32
    %dma_start3A_34 = arith.constant 0 : i32
    %dma_start3A_35 = tpu.memref_slice %arg3[%dma_start3A_33, %dma_start3A_34] : memref<1007616x64xf32, #tpu.memory_space<hbm>> -> memref<1007616x64xf32, #tpu.memory_space<hbm>>
    tpu.enqueue_indirect_dma source(%dma_start3A_35 : memref<1007616x64xf32, #tpu.memory_space<hbm>>) target(%dma_start3A_30 : memref<16x64xf32, #tpu.memory_space<vmem>>) offsets(%dma_start3A_32 : memref<16xi32, #tpu.memory_space<vmem>>) semaphore(%arg9 : memref<!tpu.dma_semaphore, #tpu.memory_space<semaphore_mem>>)
    %scan3A = arith.constant 0 : i32
    %scan3A_36 = arith.constant 0 : i32
    %scan3A_37 = arith.constant 32 : i32
    %scan3A_38 = arith.addi %scan3A_36, %scan3A_37 : i32
    %scan3A_39 = arith.constant 1 : i32
    scf.for %scan3A_72 = %scan3A_36 to %scan3A_38 step %scan3A_39  : i32 {
      %mul3A_73 = arith.constant 2 : i32
      %mul3A_74 = arith.muli %mul3A_73, %scan3A_72 : i32
      %add3A_75 = arith.constant 1 : i32
      %add3A_76 = arith.addi %mul3A_74, %add3A_75 : i32
      %mul3A_77 = arith.constant 400 : i32
      %mul3A_78 = arith.muli %add3A_76, %mul3A_77 : i32
      %add3A_79 = arith.constant 0 : i32
      %add3A_80 = arith.addi %mul3A_78, %add3A_79 : i32
      %dma_start3A_81 = arith.constant 0 : i32
      %dma_start3A_82 = arith.constant 0 : i32
      %dma_start3A_83 = tpu.memref_slice %arg7[%dma_start3A_81, %dma_start3A_82] : memref<400x64xf32, #tpu.memory_space<vmem>> -> memref<128x64xf32, #tpu.memory_space<vmem>>
      %dma_start3A_84 = tpu.memref_slice %arg5[%add3A_80] : memref<25600xi32, #tpu.memory_space<vmem>> -> memref<128xi32, #tpu.memory_space<vmem>>
      %dma_start3A_85 = arith.constant 0 : i32
      %dma_start3A_86 = arith.constant 0 : i32
      %dma_start3A_87 = tpu.memref_slice %arg3[%dma_start3A_85, %dma_start3A_86] : memref<1007616x64xf32, #tpu.memory_space<hbm>> -> memref<1007616x64xf32, #tpu.memory_space<hbm>>
      tpu.enqueue_indirect_dma source(%dma_start3A_87 : memref<1007616x64xf32, #tpu.memory_space<hbm>>) target(%dma_start3A_83 : memref<128x64xf32, #tpu.memory_space<vmem>>) offsets(%dma_start3A_84 : memref<128xi32, #tpu.memory_space<vmem>>) semaphore(%arg10 : memref<!tpu.dma_semaphore, #tpu.memory_space<semaphore_mem>>)
      %add3A_88 = arith.constant 128 : i32
      %add3A_89 = arith.addi %mul3A_78, %add3A_88 : i32
      %dma_start3A_90 = arith.constant 128 : i32
      %dma_start3A_91 = arith.constant 0 : i32
      %dma_start3A_92 = tpu.memref_slice %arg7[%dma_start3A_90, %dma_start3A_91] : memref<400x64xf32, #tpu.memory_space<vmem>> -> memref<128x64xf32, #tpu.memory_space<vmem>>
      %dma_start3A_93 = tpu.memref_slice %arg5[%add3A_89] : memref<25600xi32, #tpu.memory_space<vmem>> -> memref<128xi32, #tpu.memory_space<vmem>>
      %dma_start3A_94 = arith.constant 0 : i32
      %dma_start3A_95 = arith.constant 0 : i32
      %dma_start3A_96 = tpu.memref_slice %arg3[%dma_start3A_94, %dma_start3A_95] : memref<1007616x64xf32, #tpu.memory_space<hbm>> -> memref<1007616x64xf32, #tpu.memory_space<hbm>>
      tpu.enqueue_indirect_dma source(%dma_start3A_96 : memref<1007616x64xf32, #tpu.memory_space<hbm>>) target(%dma_start3A_92 : memref<128x64xf32, #tpu.memory_space<vmem>>) offsets(%dma_start3A_93 : memref<128xi32, #tpu.memory_space<vmem>>) semaphore(%arg10 : memref<!tpu.dma_semaphore, #tpu.memory_space<semaphore_mem>>)
      %add3A_97 = arith.constant 256 : i32
      %add3A_98 = arith.addi %mul3A_78, %add3A_97 : i32
      %dma_start3A_99 = arith.constant 256 : i32
      %dma_start3A_100 = arith.constant 0 : i32
      %dma_start3A_101 = tpu.memref_slice %arg7[%dma_start3A_99, %dma_start3A_100] : memref<400x64xf32, #tpu.memory_space<vmem>> -> memref<128x64xf32, #tpu.memory_space<vmem>>
      %dma_start3A_102 = tpu.memref_slice %arg5[%add3A_98] : memref<25600xi32, #tpu.memory_space<vmem>> -> memref<128xi32, #tpu.memory_space<vmem>>
      %dma_start3A_103 = arith.constant 0 : i32
      %dma_start3A_104 = arith.constant 0 : i32
      %dma_start3A_105 = tpu.memref_slice %arg3[%dma_start3A_103, %dma_start3A_104] : memref<1007616x64xf32, #tpu.memory_space<hbm>> -> memref<1007616x64xf32, #tpu.memory_space<hbm>>
      tpu.enqueue_indirect_dma source(%dma_start3A_105 : memref<1007616x64xf32, #tpu.memory_space<hbm>>) target(%dma_start3A_101 : memref<128x64xf32, #tpu.memory_space<vmem>>) offsets(%dma_start3A_102 : memref<128xi32, #tpu.memory_space<vmem>>) semaphore(%arg10 : memref<!tpu.dma_semaphore, #tpu.memory_space<semaphore_mem>>)
      %add3A_106 = arith.constant 384 : i32
      %add3A_107 = arith.addi %mul3A_78, %add3A_106 : i32
      %dma_start3A_108 = arith.constant 384 : i32
      %dma_start3A_109 = arith.constant 0 : i32
      %dma_start3A_110 = tpu.memref_slice %arg7[%dma_start3A_108, %dma_start3A_109] : memref<400x64xf32, #tpu.memory_space<vmem>> -> memref<16x64xf32, #tpu.memory_space<vmem>>
      %dma_start3A_111 = tpu.memref_slice %arg5[%add3A_107] : memref<25600xi32, #tpu.memory_space<vmem>> -> memref<16xi32, #tpu.memory_space<vmem>>
      %dma_start3A_112 = arith.constant 0 : i32
      %dma_start3A_113 = arith.constant 0 : i32
      %dma_start3A_114 = tpu.memref_slice %arg3[%dma_start3A_112, %dma_start3A_113] : memref<1007616x64xf32, #tpu.memory_space<hbm>> -> memref<1007616x64xf32, #tpu.memory_space<hbm>>
      tpu.enqueue_indirect_dma source(%dma_start3A_114 : memref<1007616x64xf32, #tpu.memory_space<hbm>>) target(%dma_start3A_110 : memref<16x64xf32, #tpu.memory_space<vmem>>) offsets(%dma_start3A_111 : memref<16xi32, #tpu.memory_space<vmem>>) semaphore(%arg10 : memref<!tpu.dma_semaphore, #tpu.memory_space<semaphore_mem>>)
      %mul3A_115 = arith.constant 400 : i32
      %mul3A_116 = arith.muli %mul3A_74, %mul3A_115 : i32
      %add3A_117 = arith.constant 0 : i32
      %add3A_118 = arith.addi %mul3A_116, %add3A_117 : i32
      %dma_wait3A_119 = arith.constant 0 : i32
      %dma_wait3A_120 = arith.constant 0 : i32
      %dma_wait3A_121 = tpu.memref_slice %arg6[%dma_wait3A_119, %dma_wait3A_120] : memref<400x64xf32, #tpu.memory_space<vmem>> -> memref<128x64xf32, #tpu.memory_space<vmem>>
      %dma_wait3A_122 = tpu.memref_slice %arg5[%add3A_118] : memref<25600xi32, #tpu.memory_space<vmem>> -> memref<128xi32, #tpu.memory_space<vmem>>
      %dma_wait3A_123 = arith.constant 0 : i32
      %dma_wait3A_124 = arith.constant 0 : i32
      %dma_wait3A_125 = tpu.memref_slice %arg3[%dma_wait3A_123, %dma_wait3A_124] : memref<1007616x64xf32, #tpu.memory_space<hbm>> -> memref<1007616x64xf32, #tpu.memory_space<hbm>>
      tpu.wait_indirect_dma semaphore(%arg9 : memref<!tpu.dma_semaphore, #tpu.memory_space<semaphore_mem>>) src(%dma_wait3A_125 : memref<1007616x64xf32, #tpu.memory_space<hbm>>) dst(%dma_wait3A_121 : memref<128x64xf32, #tpu.memory_space<vmem>>)
      %add3A_126 = arith.constant 128 : i32
      %add3A_127 = arith.addi %mul3A_116, %add3A_126 : i32
      %dma_wait3A_128 = arith.constant 128 : i32
      %dma_wait3A_129 = arith.constant 0 : i32
      %dma_wait3A_130 = tpu.memref_slice %arg6[%dma_wait3A_128, %dma_wait3A_129] : memref<400x64xf32, #tpu.memory_space<vmem>> -> memref<128x64xf32, #tpu.memory_space<vmem>>
      %dma_wait3A_131 = tpu.memref_slice %arg5[%add3A_127] : memref<25600xi32, #tpu.memory_space<vmem>> -> memref<128xi32, #tpu.memory_space<vmem>>
      %dma_wait3A_132 = arith.constant 0 : i32
      %dma_wait3A_133 = arith.constant 0 : i32
      %dma_wait3A_134 = tpu.memref_slice %arg3[%dma_wait3A_132, %dma_wait3A_133] : memref<1007616x64xf32, #tpu.memory_space<hbm>> -> memref<1007616x64xf32, #tpu.memory_space<hbm>>
      tpu.wait_indirect_dma semaphore(%arg9 : memref<!tpu.dma_semaphore, #tpu.memory_space<semaphore_mem>>) src(%dma_wait3A_134 : memref<1007616x64xf32, #tpu.memory_space<hbm>>) dst(%dma_wait3A_130 : memref<128x64xf32, #tpu.memory_space<vmem>>)
      %add3A_135 = arith.constant 256 : i32
      %add3A_136 = arith.addi %mul3A_116, %add3A_135 : i32
      %dma_wait3A_137 = arith.constant 256 : i32
      %dma_wait3A_138 = arith.constant 0 : i32
      %dma_wait3A_139 = tpu.memref_slice %arg6[%dma_wait3A_137, %dma_wait3A_138] : memref<400x64xf32, #tpu.memory_space<vmem>> -> memref<128x64xf32, #tpu.memory_space<vmem>>
      %dma_wait3A_140 = tpu.memref_slice %arg5[%add3A_136] : memref<25600xi32, #tpu.memory_space<vmem>> -> memref<128xi32, #tpu.memory_space<vmem>>
      %dma_wait3A_141 = arith.constant 0 : i32
      %dma_wait3A_142 = arith.constant 0 : i32
      %dma_wait3A_143 = tpu.memref_slice %arg3[%dma_wait3A_141, %dma_wait3A_142] : memref<1007616x64xf32, #tpu.memory_space<hbm>> -> memref<1007616x64xf32, #tpu.memory_space<hbm>>
      tpu.wait_indirect_dma semaphore(%arg9 : memref<!tpu.dma_semaphore, #tpu.memory_space<semaphore_mem>>) src(%dma_wait3A_143 : memref<1007616x64xf32, #tpu.memory_space<hbm>>) dst(%dma_wait3A_139 : memref<128x64xf32, #tpu.memory_space<vmem>>)
      %add3A_144 = arith.constant 384 : i32
      %add3A_145 = arith.addi %mul3A_116, %add3A_144 : i32
      %dma_wait3A_146 = arith.constant 384 : i32
      %dma_wait3A_147 = arith.constant 0 : i32
      %dma_wait3A_148 = tpu.memref_slice %arg6[%dma_wait3A_146, %dma_wait3A_147] : memref<400x64xf32, #tpu.memory_space<vmem>> -> memref<16x64xf32, #tpu.memory_space<vmem>>
      %dma_wait3A_149 = tpu.memref_slice %arg5[%add3A_145] : memref<25600xi32, #tpu.memory_space<vmem>> -> memref<16xi32, #tpu.memory_space<vmem>>
      %dma_wait3A_150 = arith.constant 0 : i32
      %dma_wait3A_151 = arith.constant 0 : i32
      %dma_wait3A_152 = tpu.memref_slice %arg3[%dma_wait3A_150, %dma_wait3A_151] : memref<1007616x64xf32, #tpu.memory_space<hbm>> -> memref<1007616x64xf32, #tpu.memory_space<hbm>>
      tpu.wait_indirect_dma semaphore(%arg9 : memref<!tpu.dma_semaphore, #tpu.memory_space<semaphore_mem>>) src(%dma_wait3A_152 : memref<1007616x64xf32, #tpu.memory_space<hbm>>) dst(%dma_wait3A_148 : memref<16x64xf32, #tpu.memory_space<vmem>>)
      %mul3A_153 = arith.constant 2 : i32
      %mul3A_154 = arith.muli %mul3A_74, %mul3A_153 : i32
      %broadcast_in_dim3A = arith.constant 0.000000e+00 : f32
      %broadcast_in_dim3A_155 = vector.broadcast %broadcast_in_dim3A : f32 to vector<16xf32>
      %broadcast_in_dim3A_156 = arith.constant 0.000000e+00 : f32
      %broadcast_in_dim3A_157 = vector.broadcast %broadcast_in_dim3A_156 : f32 to vector<16xf32>
      %broadcast_in_dim3A_158 = arith.constant 0.000000e+00 : f32
      %broadcast_in_dim3A_159 = vector.broadcast %broadcast_in_dim3A_158 : f32 to vector<16xf32>
      %broadcast_in_dim3A_160 = arith.constant 0.000000e+00 : f32
      %broadcast_in_dim3A_161 = vector.broadcast %broadcast_in_dim3A_160 : f32 to vector<16xf32>
      %scan3A_162 = arith.constant 0 : i32
      %scan3A_163 = arith.constant 50 : i32
      %scan3A_164 = arith.addi %scan3A_162, %scan3A_163 : i32
      %scan3A_165 = arith.constant 1 : i32
      %scan3A_166:4 = scf.for %scan3A_450 = %scan3A_162 to %scan3A_164 step %scan3A_165 iter_args(%scan3A_451 = %broadcast_in_dim3A_155, %scan3A_452 = %broadcast_in_dim3A_157, %scan3A_453 = %broadcast_in_dim3A_159, %scan3A_454 = %broadcast_in_dim3A_161) -> (vector<16xf32>, vector<16xf32>, vector<16xf32>, vector<16xf32>)  : i32 {
        %mul3A_455 = arith.constant 4 : i32
        %mul3A_456 = arith.muli %scan3A_450, %mul3A_455 : i32
        %add3A_457 = arith.constant 0 : i32
        %add3A_458 = arith.addi %add3A_457, %mul3A_456 : i32
        %add3A_459 = arith.constant 0 : i32
        %add3A_460 = arith.addi %add3A_458, %add3A_459 : i32
        %get3A = arith.index_cast %add3A_460 : i32 to index
        %get3A_461 = arith.constant 0 : index
        %get3A_462 = tpu.vector_load %arg6[%get3A, %get3A_461] {strides = array<i32>} : memref<400x64xf32, #tpu.memory_space<vmem>>, vector<1x16xf32>,
        %get3A_463 = vector.shape_cast %get3A_462 : vector<1x16xf32> to vector<16xf32>
        %add3A_464 = arith.addf %scan3A_451, %get3A_463 : vector<16xf32>
        %get3A_465 = arith.index_cast %add3A_460 : i32 to index
        %get3A_466 = arith.constant 16 : index
        %get3A_467 = tpu.vector_load %arg6[%get3A_465, %get3A_466] {strides = array<i32>} : memref<400x64xf32, #tpu.memory_space<vmem>>, vector<1x16xf32>,
        %get3A_468 = vector.shape_cast %get3A_467 : vector<1x16xf32> to vector<16xf32>
        %add3A_469 = arith.addf %scan3A_452, %get3A_468 : vector<16xf32>
        %get3A_470 = arith.index_cast %add3A_460 : i32 to index
        %get3A_471 = arith.constant 32 : index
        %get3A_472 = tpu.vector_load %arg6[%get3A_470, %get3A_471] {strides = array<i32>} : memref<400x64xf32, #tpu.memory_space<vmem>>, vector<1x16xf32>,
        %get3A_473 = vector.shape_cast %get3A_472 : vector<1x16xf32> to vector<16xf32>
        %add3A_474 = arith.addf %scan3A_453, %get3A_473 : vector<16xf32>
        %get3A_475 = arith.index_cast %add3A_460 : i32 to index
        %get3A_476 = arith.constant 48 : index
        %get3A_477 = tpu.vector_load %arg6[%get3A_475, %get3A_476] {strides = array<i32>} : memref<400x64xf32, #tpu.memory_space<vmem>>, vector<1x16xf32>,
        %get3A_478 = vector.shape_cast %get3A_477 : vector<1x16xf32> to vector<16xf32>
        %add3A_479 = arith.addf %scan3A_454, %get3A_478 : vector<16xf32>
        %mul3A_480 = arith.constant 4 : i32
        %mul3A_481 = arith.muli %scan3A_450, %mul3A_480 : i32
        %add3A_482 = arith.constant 0 : i32
        %add3A_483 = arith.addi %add3A_482, %mul3A_481 : i32
        %add3A_484 = arith.constant 1 : i32
        %add3A_485 = arith.addi %add3A_483, %add3A_484 : i32
        %get3A_486 = arith.index_cast %add3A_485 : i32 to index
        %get3A_487 = arith.constant 0 : index
        %get3A_488 = tpu.vector_load %arg6[%get3A_486, %get3A_487] {strides = array<i32>} : memref<400x64xf32, #tpu.memory_space<vmem>>, vector<1x16xf32>,
        %get3A_489 = vector.shape_cast %get3A_488 : vector<1x16xf32> to vector<16xf32>
        %add3A_490 = arith.addf %add3A_464, %get3A_489 : vector<16xf32>
        %get3A_491 = arith.index_cast %add3A_485 : i32 to index
        %get3A_492 = arith.constant 16 : index
        %get3A_493 = tpu.vector_load %arg6[%get3A_491, %get3A_492] {strides = array<i32>} : memref<400x64xf32, #tpu.memory_space<vmem>>, vector<1x16xf32>,
        %get3A_494 = vector.shape_cast %get3A_493 : vector<1x16xf32> to vector<16xf32>
        %add3A_495 = arith.addf %add3A_469, %get3A_494 : vector<16xf32>
        %get3A_496 = arith.index_cast %add3A_485 : i32 to index
        %get3A_497 = arith.constant 32 : index
        %get3A_498 = tpu.vector_load %arg6[%get3A_496, %get3A_497] {strides = array<i32>} : memref<400x64xf32, #tpu.memory_space<vmem>>, vector<1x16xf32>,
        %get3A_499 = vector.shape_cast %get3A_498 : vector<1x16xf32> to vector<16xf32>
        %add3A_500 = arith.addf %add3A_474, %get3A_499 : vector<16xf32>
        %get3A_501 = arith.index_cast %add3A_485 : i32 to index
        %get3A_502 = arith.constant 48 : index
        %get3A_503 = tpu.vector_load %arg6[%get3A_501, %get3A_502] {strides = array<i32>} : memref<400x64xf32, #tpu.memory_space<vmem>>, vector<1x16xf32>,
        %get3A_504 = vector.shape_cast %get3A_503 : vector<1x16xf32> to vector<16xf32>
        %add3A_505 = arith.addf %add3A_479, %get3A_504 : vector<16xf32>
        %mul3A_506 = arith.constant 4 : i32
        %mul3A_507 = arith.muli %scan3A_450, %mul3A_506 : i32
        %add3A_508 = arith.constant 0 : i32
        %add3A_509 = arith.addi %add3A_508, %mul3A_507 : i32
        %add3A_510 = arith.constant 2 : i32
        %add3A_511 = arith.addi %add3A_509, %add3A_510 : i32
        %get3A_512 = arith.index_cast %add3A_511 : i32 to index
        %get3A_513 = arith.constant 0 : index
        %get3A_514 = tpu.vector_load %arg6[%get3A_512, %get3A_513] {strides = array<i32>} : memref<400x64xf32, #tpu.memory_space<vmem>>, vector<1x16xf32>,
        %get3A_515 = vector.shape_cast %get3A_514 : vector<1x16xf32> to vector<16xf32>
        %add3A_516 = arith.addf %add3A_490, %get3A_515 : vector<16xf32>
        %get3A_517 = arith.index_cast %add3A_511 : i32 to index
        %get3A_518 = arith.constant 16 : index
        %get3A_519 = tpu.vector_load %arg6[%get3A_517, %get3A_518] {strides = array<i32>} : memref<400x64xf32, #tpu.memory_space<vmem>>, vector<1x16xf32>,
        %get3A_520 = vector.shape_cast %get3A_519 : vector<1x16xf32> to vector<16xf32>
        %add3A_521 = arith.addf %add3A_495, %get3A_520 : vector<16xf32>
        %get3A_522 = arith.index_cast %add3A_511 : i32 to index
        %get3A_523 = arith.constant 32 : index
        %get3A_524 = tpu.vector_load %arg6[%get3A_522, %get3A_523] {strides = array<i32>} : memref<400x64xf32, #tpu.memory_space<vmem>>, vector<1x16xf32>,
        %get3A_525 = vector.shape_cast %get3A_524 : vector<1x16xf32> to vector<16xf32>
        %add3A_526 = arith.addf %add3A_500, %get3A_525 : vector<16xf32>
        %get3A_527 = arith.index_cast %add3A_511 : i32 to index
        %get3A_528 = arith.constant 48 : index
        %get3A_529 = tpu.vector_load %arg6[%get3A_527, %get3A_528] {strides = array<i32>} : memref<400x64xf32, #tpu.memory_space<vmem>>, vector<1x16xf32>,
        %get3A_530 = vector.shape_cast %get3A_529 : vector<1x16xf32> to vector<16xf32>
        %add3A_531 = arith.addf %add3A_505, %get3A_530 : vector<16xf32>
        %mul3A_532 = arith.constant 4 : i32
        %mul3A_533 = arith.muli %scan3A_450, %mul3A_532 : i32
        %add3A_534 = arith.constant 0 : i32
        %add3A_535 = arith.addi %add3A_534, %mul3A_533 : i32
        %add3A_536 = arith.constant 3 : i32
        %add3A_537 = arith.addi %add3A_535, %add3A_536 : i32
        %get3A_538 = arith.index_cast %add3A_537 : i32 to index
        %get3A_539 = arith.constant 0 : index
        %get3A_540 = tpu.vector_load %arg6[%get3A_538, %get3A_539] {strides = array<i32>} : memref<400x64xf32, #tpu.memory_space<vmem>>, vector<1x16xf32>,
        %get3A_541 = vector.shape_cast %get3A_540 : vector<1x16xf32> to vector<16xf32>
        %add3A_542 = arith.addf %add3A_516, %get3A_541 : vector<16xf32>
        %get3A_543 = arith.index_cast %add3A_537 : i32 to index
        %get3A_544 = arith.constant 16 : index
        %get3A_545 = tpu.vector_load %arg6[%get3A_543, %get3A_544] {strides = array<i32>} : memref<400x64xf32, #tpu.memory_space<vmem>>, vector<1x16xf32>,
        %get3A_546 = vector.shape_cast %get3A_545 : vector<1x16xf32> to vector<16xf32>
        %add3A_547 = arith.addf %add3A_521, %get3A_546 : vector<16xf32>
        %get3A_548 = arith.index_cast %add3A_537 : i32 to index
        %get3A_549 = arith.constant 32 : index
        %get3A_550 = tpu.vector_load %arg6[%get3A_548, %get3A_549] {strides = array<i32>} : memref<400x64xf32, #tpu.memory_space<vmem>>, vector<1x16xf32>,
        %get3A_551 = vector.shape_cast %get3A_550 : vector<1x16xf32> to vector<16xf32>
        %add3A_552 = arith.addf %add3A_526, %get3A_551 : vector<16xf32>
        %get3A_553 = arith.index_cast %add3A_537 : i32 to index
        %get3A_554 = arith.constant 48 : index
        %get3A_555 = tpu.vector_load %arg6[%get3A_553, %get3A_554] {strides = array<i32>} : memref<400x64xf32, #tpu.memory_space<vmem>>, vector<1x16xf32>,
        %get3A_556 = vector.shape_cast %get3A_555 : vector<1x16xf32> to vector<16xf32>
        %add3A_557 = arith.addf %add3A_531, %get3A_556 : vector<16xf32>
        scf.yield %add3A_542, %add3A_547, %add3A_552, %add3A_557 : vector<16xf32>, vector<16xf32>, vector<16xf32>, vector<16xf32>
      }
      %scan3A_167 = arith.constant 50 : i32
      %mul3A_168 = arith.constant 5.000000e-03 : f32
      %mul3A_169 = vector.broadcast %mul3A_168 : f32 to vector<16xf32>
      %mul3A_170 = arith.mulf %scan3A_166#0, %mul3A_169 : vector<16xf32>
      %add3A_171 = arith.constant 0 : i32
      %add3A_172 = arith.addi %mul3A_154, %add3A_171 : i32
      %swap3A = arith.index_cast %add3A_172 : i32 to index
      %swap3A_173 = arith.constant 0 : index
      %swap3A_174 = tpu.vector_load %arg8[%swap3A, %swap3A_173] {strides = array<i32>} : memref<128x64xf32, #tpu.memory_space<vmem>>, vector<1x16xf32>,
      %swap3A_175 = vector.shape_cast %swap3A_174 : vector<1x16xf32> to vector<16xf32>
      %swap3A_176 = vector.shape_cast %mul3A_170 : vector<16xf32> to vector<1x16xf32>
      tpu.vector_store %arg8[%swap3A, %swap3A_173], %swap3A_176 {strides = array<i32>} : memref<128x64xf32, #tpu.memory_space<vmem>>, vector<1x16xf32>,
      %mul3A_177 = arith.constant 5.000000e-03 : f32
      %mul3A_178 = vector.broadcast %mul3A_177 : f32 to vector<16xf32>
      %mul3A_179 = arith.mulf %scan3A_166#1, %mul3A_178 : vector<16xf32>
      %add3A_180 = arith.constant 0 : i32
      %add3A_181 = arith.addi %mul3A_154, %add3A_180 : i32
      %swap3A_182 = arith.index_cast %add3A_181 : i32 to index
      %swap3A_183 = arith.constant 16 : index
      %swap3A_184 = tpu.vector_load %arg8[%swap3A_182, %swap3A_183] {strides = array<i32>} : memref<128x64xf32, #tpu.memory_space<vmem>>, vector<1x16xf32>,
      %swap3A_185 = vector.shape_cast %swap3A_184 : vector<1x16xf32> to vector<16xf32>
      %swap3A_186 = vector.shape_cast %mul3A_179 : vector<16xf32> to vector<1x16xf32>
      tpu.vector_store %arg8[%swap3A_182, %swap3A_183], %swap3A_186 {strides = array<i32>} : memref<128x64xf32, #tpu.memory_space<vmem>>, vector<1x16xf32>,
      %mul3A_187 = arith.constant 5.000000e-03 : f32
      %mul3A_188 = vector.broadcast %mul3A_187 : f32 to vector<16xf32>
      %mul3A_189 = arith.mulf %scan3A_166#2, %mul3A_188 : vector<16xf32>
      %add3A_190 = arith.constant 0 : i32
      %add3A_191 = arith.addi %mul3A_154, %add3A_190 : i32
      %swap3A_192 = arith.index_cast %add3A_191 : i32 to index
      %swap3A_193 = arith.constant 32 : index
      %swap3A_194 = tpu.vector_load %arg8[%swap3A_192, %swap3A_193] {strides = array<i32>} : memref<128x64xf32, #tpu.memory_space<vmem>>, vector<1x16xf32>,
      %swap3A_195 = vector.shape_cast %swap3A_194 : vector<1x16xf32> to vector<16xf32>
      %swap3A_196 = vector.shape_cast %mul3A_189 : vector<16xf32> to vector<1x16xf32>
      tpu.vector_store %arg8[%swap3A_192, %swap3A_193], %swap3A_196 {strides = array<i32>} : memref<128x64xf32, #tpu.memory_space<vmem>>, vector<1x16xf32>,
      %mul3A_197 = arith.constant 5.000000e-03 : f32
      %mul3A_198 = vector.broadcast %mul3A_197 : f32 to vector<16xf32>
      %mul3A_199 = arith.mulf %scan3A_166#3, %mul3A_198 : vector<16xf32>
      %add3A_200 = arith.constant 0 : i32
      %add3A_201 = arith.addi %mul3A_154, %add3A_200 : i32
      %swap3A_202 = arith.index_cast %add3A_201 : i32 to index
      %swap3A_203 = arith.constant 48 : index
      %swap3A_204 = tpu.vector_load %arg8[%swap3A_202, %swap3A_203] {strides = array<i32>} : memref<128x64xf32, #tpu.memory_space<vmem>>, vector<1x16xf32>,
      %swap3A_205 = vector.shape_cast %swap3A_204 : vector<1x16xf32> to vector<16xf32>
      %swap3A_206 = vector.shape_cast %mul3A_199 : vector<16xf32> to vector<1x16xf32>
      tpu.vector_store %arg8[%swap3A_202, %swap3A_203], %swap3A_206 {strides = array<i32>} : memref<128x64xf32, #tpu.memory_space<vmem>>, vector<1x16xf32>,
      %broadcast_in_dim3A_207 = arith.constant 0.000000e+00 : f32
      %broadcast_in_dim3A_208 = vector.broadcast %broadcast_in_dim3A_207 : f32 to vector<16xf32>
      %broadcast_in_dim3A_209 = arith.constant 0.000000e+00 : f32
      %broadcast_in_dim3A_210 = vector.broadcast %broadcast_in_dim3A_209 : f32 to vector<16xf32>
      %broadcast_in_dim3A_211 = arith.constant 0.000000e+00 : f32
      %broadcast_in_dim3A_212 = vector.broadcast %broadcast_in_dim3A_211 : f32 to vector<16xf32>
      %broadcast_in_dim3A_213 = arith.constant 0.000000e+00 : f32
      %broadcast_in_dim3A_214 = vector.broadcast %broadcast_in_dim3A_213 : f32 to vector<16xf32>
      %scan3A_215 = arith.constant 0 : i32
      %scan3A_216 = arith.constant 50 : i32
      %scan3A_217 = arith.addi %scan3A_215, %scan3A_216 : i32
      %scan3A_218 = arith.constant 1 : i32
      %scan3A_219:4 = scf.for %scan3A_450 = %scan3A_215 to %scan3A_217 step %scan3A_218 iter_args(%scan3A_451 = %broadcast_in_dim3A_208, %scan3A_452 = %broadcast_in_dim3A_210, %scan3A_453 = %broadcast_in_dim3A_212, %scan3A_454 = %broadcast_in_dim3A_214) -> (vector<16xf32>, vector<16xf32>, vector<16xf32>, vector<16xf32>)  : i32 {
        %mul3A_455 = arith.constant 4 : i32
        %mul3A_456 = arith.muli %scan3A_450, %mul3A_455 : i32
        %add3A_457 = arith.constant 200 : i32
        %add3A_458 = arith.addi %add3A_457, %mul3A_456 : i32
        %add3A_459 = arith.constant 0 : i32
        %add3A_460 = arith.addi %add3A_458, %add3A_459 : i32
        %get3A = arith.index_cast %add3A_460 : i32 to index
        %get3A_461 = arith.constant 0 : index
        %get3A_462 = tpu.vector_load %arg6[%get3A, %get3A_461] {strides = array<i32>} : memref<400x64xf32, #tpu.memory_space<vmem>>, vector<1x16xf32>,
        %get3A_463 = vector.shape_cast %get3A_462 : vector<1x16xf32> to vector<16xf32>
        %add3A_464 = arith.addf %scan3A_451, %get3A_463 : vector<16xf32>
        %get3A_465 = arith.index_cast %add3A_460 : i32 to index
        %get3A_466 = arith.constant 16 : index
        %get3A_467 = tpu.vector_load %arg6[%get3A_465, %get3A_466] {strides = array<i32>} : memref<400x64xf32, #tpu.memory_space<vmem>>, vector<1x16xf32>,
        %get3A_468 = vector.shape_cast %get3A_467 : vector<1x16xf32> to vector<16xf32>
        %add3A_469 = arith.addf %scan3A_452, %get3A_468 : vector<16xf32>
        %get3A_470 = arith.index_cast %add3A_460 : i32 to index
        %get3A_471 = arith.constant 32 : index
        %get3A_472 = tpu.vector_load %arg6[%get3A_470, %get3A_471] {strides = array<i32>} : memref<400x64xf32, #tpu.memory_space<vmem>>, vector<1x16xf32>,
        %get3A_473 = vector.shape_cast %get3A_472 : vector<1x16xf32> to vector<16xf32>
        %add3A_474 = arith.addf %scan3A_453, %get3A_473 : vector<16xf32>
        %get3A_475 = arith.index_cast %add3A_460 : i32 to index
        %get3A_476 = arith.constant 48 : index
        %get3A_477 = tpu.vector_load %arg6[%get3A_475, %get3A_476] {strides = array<i32>} : memref<400x64xf32, #tpu.memory_space<vmem>>, vector<1x16xf32>,
        %get3A_478 = vector.shape_cast %get3A_477 : vector<1x16xf32> to vector<16xf32>
        %add3A_479 = arith.addf %scan3A_454, %get3A_478 : vector<16xf32>
        %mul3A_480 = arith.constant 4 : i32
        %mul3A_481 = arith.muli %scan3A_450, %mul3A_480 : i32
        %add3A_482 = arith.constant 200 : i32
        %add3A_483 = arith.addi %add3A_482, %mul3A_481 : i32
        %add3A_484 = arith.constant 1 : i32
        %add3A_485 = arith.addi %add3A_483, %add3A_484 : i32
        %get3A_486 = arith.index_cast %add3A_485 : i32 to index
        %get3A_487 = arith.constant 0 : index
        %get3A_488 = tpu.vector_load %arg6[%get3A_486, %get3A_487] {strides = array<i32>} : memref<400x64xf32, #tpu.memory_space<vmem>>, vector<1x16xf32>,
        %get3A_489 = vector.shape_cast %get3A_488 : vector<1x16xf32> to vector<16xf32>
        %add3A_490 = arith.addf %add3A_464, %get3A_489 : vector<16xf32>
        %get3A_491 = arith.index_cast %add3A_485 : i32 to index
        %get3A_492 = arith.constant 16 : index
        %get3A_493 = tpu.vector_load %arg6[%get3A_491, %get3A_492] {strides = array<i32>} : memref<400x64xf32, #tpu.memory_space<vmem>>, vector<1x16xf32>,
        %get3A_494 = vector.shape_cast %get3A_493 : vector<1x16xf32> to vector<16xf32>
        %add3A_495 = arith.addf %add3A_469, %get3A_494 : vector<16xf32>
        %get3A_496 = arith.index_cast %add3A_485 : i32 to index
        %get3A_497 = arith.constant 32 : index
        %get3A_498 = tpu.vector_load %arg6[%get3A_496, %get3A_497] {strides = array<i32>} : memref<400x64xf32, #tpu.memory_space<vmem>>, vector<1x16xf32>,
        %get3A_499 = vector.shape_cast %get3A_498 : vector<1x16xf32> to vector<16xf32>
        %add3A_500 = arith.addf %add3A_474, %get3A_499 : vector<16xf32>
        %get3A_501 = arith.index_cast %add3A_485 : i32 to index
        %get3A_502 = arith.constant 48 : index
        %get3A_503 = tpu.vector_load %arg6[%get3A_501, %get3A_502] {strides = array<i32>} : memref<400x64xf32, #tpu.memory_space<vmem>>, vector<1x16xf32>,
        %get3A_504 = vector.shape_cast %get3A_503 : vector<1x16xf32> to vector<16xf32>
        %add3A_505 = arith.addf %add3A_479, %get3A_504 : vector<16xf32>
        %mul3A_506 = arith.constant 4 : i32
        %mul3A_507 = arith.muli %scan3A_450, %mul3A_506 : i32
        %add3A_508 = arith.constant 200 : i32
        %add3A_509 = arith.addi %add3A_508, %mul3A_507 : i32
        %add3A_510 = arith.constant 2 : i32
        %add3A_511 = arith.addi %add3A_509, %add3A_510 : i32
        %get3A_512 = arith.index_cast %add3A_511 : i32 to index
        %get3A_513 = arith.constant 0 : index
        %get3A_514 = tpu.vector_load %arg6[%get3A_512, %get3A_513] {strides = array<i32>} : memref<400x64xf32, #tpu.memory_space<vmem>>, vector<1x16xf32>,
        %get3A_515 = vector.shape_cast %get3A_514 : vector<1x16xf32> to vector<16xf32>
        %add3A_516 = arith.addf %add3A_490, %get3A_515 : vector<16xf32>
        %get3A_517 = arith.index_cast %add3A_511 : i32 to index
        %get3A_518 = arith.constant 16 : index
        %get3A_519 = tpu.vector_load %arg6[%get3A_517, %get3A_518] {strides = array<i32>} : memref<400x64xf32, #tpu.memory_space<vmem>>, vector<1x16xf32>,
        %get3A_520 = vector.shape_cast %get3A_519 : vector<1x16xf32> to vector<16xf32>
        %add3A_521 = arith.addf %add3A_495, %get3A_520 : vector<16xf32>
        %get3A_522 = arith.index_cast %add3A_511 : i32 to index
        %get3A_523 = arith.constant 32 : index
        %get3A_524 = tpu.vector_load %arg6[%get3A_522, %get3A_523] {strides = array<i32>} : memref<400x64xf32, #tpu.memory_space<vmem>>, vector<1x16xf32>,
        %get3A_525 = vector.shape_cast %get3A_524 : vector<1x16xf32> to vector<16xf32>
        %add3A_526 = arith.addf %add3A_500, %get3A_525 : vector<16xf32>
        %get3A_527 = arith.index_cast %add3A_511 : i32 to index
        %get3A_528 = arith.constant 48 : index
        %get3A_529 = tpu.vector_load %arg6[%get3A_527, %get3A_528] {strides = array<i32>} : memref<400x64xf32, #tpu.memory_space<vmem>>, vector<1x16xf32>,
        %get3A_530 = vector.shape_cast %get3A_529 : vector<1x16xf32> to vector<16xf32>
        %add3A_531 = arith.addf %add3A_505, %get3A_530 : vector<16xf32>
        %mul3A_532 = arith.constant 4 : i32
        %mul3A_533 = arith.muli %scan3A_450, %mul3A_532 : i32
        %add3A_534 = arith.constant 200 : i32
        %add3A_535 = arith.addi %add3A_534, %mul3A_533 : i32
        %add3A_536 = arith.constant 3 : i32
        %add3A_537 = arith.addi %add3A_535, %add3A_536 : i32
        %get3A_538 = arith.index_cast %add3A_537 : i32 to index
        %get3A_539 = arith.constant 0 : index
        %get3A_540 = tpu.vector_load %arg6[%get3A_538, %get3A_539] {strides = array<i32>} : memref<400x64xf32, #tpu.memory_space<vmem>>, vector<1x16xf32>,
        %get3A_541 = vector.shape_cast %get3A_540 : vector<1x16xf32> to vector<16xf32>
        %add3A_542 = arith.addf %add3A_516, %get3A_541 : vector<16xf32>
        %get3A_543 = arith.index_cast %add3A_537 : i32 to index
        %get3A_544 = arith.constant 16 : index
        %get3A_545 = tpu.vector_load %arg6[%get3A_543, %get3A_544] {strides = array<i32>} : memref<400x64xf32, #tpu.memory_space<vmem>>, vector<1x16xf32>,
        %get3A_546 = vector.shape_cast %get3A_545 : vector<1x16xf32> to vector<16xf32>
        %add3A_547 = arith.addf %add3A_521, %get3A_546 : vector<16xf32>
        %get3A_548 = arith.index_cast %add3A_537 : i32 to index
        %get3A_549 = arith.constant 32 : index
        %get3A_550 = tpu.vector_load %arg6[%get3A_548, %get3A_549] {strides = array<i32>} : memref<400x64xf32, #tpu.memory_space<vmem>>, vector<1x16xf32>,
        %get3A_551 = vector.shape_cast %get3A_550 : vector<1x16xf32> to vector<16xf32>
        %add3A_552 = arith.addf %add3A_526, %get3A_551 : vector<16xf32>
        %get3A_553 = arith.index_cast %add3A_537 : i32 to index
        %get3A_554 = arith.constant 48 : index
        %get3A_555 = tpu.vector_load %arg6[%get3A_553, %get3A_554] {strides = array<i32>} : memref<400x64xf32, #tpu.memory_space<vmem>>, vector<1x16xf32>,
        %get3A_556 = vector.shape_cast %get3A_555 : vector<1x16xf32> to vector<16xf32>
        %add3A_557 = arith.addf %add3A_531, %get3A_556 : vector<16xf32>
        scf.yield %add3A_542, %add3A_547, %add3A_552, %add3A_557 : vector<16xf32>, vector<16xf32>, vector<16xf32>, vector<16xf32>
      }
      %scan3A_220 = arith.constant 50 : i32
      %mul3A_221 = arith.constant 5.000000e-03 : f32
      %mul3A_222 = vector.broadcast %mul3A_221 : f32 to vector<16xf32>
      %mul3A_223 = arith.mulf %scan3A_219#0, %mul3A_222 : vector<16xf32>
      %add3A_224 = arith.constant 1 : i32
      %add3A_225 = arith.addi %mul3A_154, %add3A_224 : i32
      %swap3A_226 = arith.index_cast %add3A_225 : i32 to index
      %swap3A_227 = arith.constant 0 : index
      %swap3A_228 = tpu.vector_load %arg8[%swap3A_226, %swap3A_227] {strides = array<i32>} : memref<128x64xf32, #tpu.memory_space<vmem>>, vector<1x16xf32>,
      %swap3A_229 = vector.shape_cast %swap3A_228 : vector<1x16xf32> to vector<16xf32>
      %swap3A_230 = vector.shape_cast %mul3A_223 : vector<16xf32> to vector<1x16xf32>
      tpu.vector_store %arg8[%swap3A_226, %swap3A_227], %swap3A_230 {strides = array<i32>} : memref<128x64xf32, #tpu.memory_space<vmem>>, vector<1x16xf32>,
      %mul3A_231 = arith.constant 5.000000e-03 : f32
      %mul3A_232 = vector.broadcast %mul3A_231 : f32 to vector<16xf32>
      %mul3A_233 = arith.mulf %scan3A_219#1, %mul3A_232 : vector<16xf32>
      %add3A_234 = arith.constant 1 : i32
      %add3A_235 = arith.addi %mul3A_154, %add3A_234 : i32
      %swap3A_236 = arith.index_cast %add3A_235 : i32 to index
      %swap3A_237 = arith.constant 16 : index
      %swap3A_238 = tpu.vector_load %arg8[%swap3A_236, %swap3A_237] {strides = array<i32>} : memref<128x64xf32, #tpu.memory_space<vmem>>, vector<1x16xf32>,
      %swap3A_239 = vector.shape_cast %swap3A_238 : vector<1x16xf32> to vector<16xf32>
      %swap3A_240 = vector.shape_cast %mul3A_233 : vector<16xf32> to vector<1x16xf32>
      tpu.vector_store %arg8[%swap3A_236, %swap3A_237], %swap3A_240 {strides = array<i32>} : memref<128x64xf32, #tpu.memory_space<vmem>>, vector<1x16xf32>,
      %mul3A_241 = arith.constant 5.000000e-03 : f32
      %mul3A_242 = vector.broadcast %mul3A_241 : f32 to vector<16xf32>
      %mul3A_243 = arith.mulf %scan3A_219#2, %mul3A_242 : vector<16xf32>
      %add3A_244 = arith.constant 1 : i32
      %add3A_245 = arith.addi %mul3A_154, %add3A_244 : i32
      %swap3A_246 = arith.index_cast %add3A_245 : i32 to index
      %swap3A_247 = arith.constant 32 : index
      %swap3A_248 = tpu.vector_load %arg8[%swap3A_246, %swap3A_247] {strides = array<i32>} : memref<128x64xf32, #tpu.memory_space<vmem>>, vector<1x16xf32>,
      %swap3A_249 = vector.shape_cast %swap3A_248 : vector<1x16xf32> to vector<16xf32>
      %swap3A_250 = vector.shape_cast %mul3A_243 : vector<16xf32> to vector<1x16xf32>
      tpu.vector_store %arg8[%swap3A_246, %swap3A_247], %swap3A_250 {strides = array<i32>} : memref<128x64xf32, #tpu.memory_space<vmem>>, vector<1x16xf32>,
      %mul3A_251 = arith.constant 5.000000e-03 : f32
      %mul3A_252 = vector.broadcast %mul3A_251 : f32 to vector<16xf32>
      %mul3A_253 = arith.mulf %scan3A_219#3, %mul3A_252 : vector<16xf32>
      %add3A_254 = arith.constant 1 : i32
      %add3A_255 = arith.addi %mul3A_154, %add3A_254 : i32
      %swap3A_256 = arith.index_cast %add3A_255 : i32 to index
      %swap3A_257 = arith.constant 48 : index
      %swap3A_258 = tpu.vector_load %arg8[%swap3A_256, %swap3A_257] {strides = array<i32>} : memref<128x64xf32, #tpu.memory_space<vmem>>, vector<1x16xf32>,
      %swap3A_259 = vector.shape_cast %swap3A_258 : vector<1x16xf32> to vector<16xf32>
      %swap3A_260 = vector.shape_cast %mul3A_253 : vector<16xf32> to vector<1x16xf32>
      tpu.vector_store %arg8[%swap3A_256, %swap3A_257], %swap3A_260 {strides = array<i32>} : memref<128x64xf32, #tpu.memory_space<vmem>>, vector<1x16xf32>,
      %add3A_261 = arith.constant 2 : i32
      %add3A_262 = arith.addi %mul3A_74, %add3A_261 : i32
      %min3A = arith.constant 62 : i32
      %min3A_263 = arith.minsi %add3A_262, %min3A : i32
      %mul3A_264 = arith.constant 400 : i32
      %mul3A_265 = arith.muli %min3A_263, %mul3A_264 : i32
      %add3A_266 = arith.constant 0 : i32
      %add3A_267 = arith.addi %mul3A_265, %add3A_266 : i32
      %dma_start3A_268 = arith.constant 0 : i32
      %dma_start3A_269 = arith.constant 0 : i32
      %dma_start3A_270 = tpu.memref_slice %arg6[%dma_start3A_268, %dma_start3A_269] : memref<400x64xf32, #tpu.memory_space<vmem>> -> memref<128x64xf32, #tpu.memory_space<vmem>>
      %dma_start3A_271 = tpu.memref_slice %arg5[%add3A_267] : memref<25600xi32, #tpu.memory_space<vmem>> -> memref<128xi32, #tpu.memory_space<vmem>>
      %dma_start3A_272 = arith.constant 0 : i32
      %dma_start3A_273 = arith.constant 0 : i32
      %dma_start3A_274 = tpu.memref_slice %arg3[%dma_start3A_272, %dma_start3A_273] : memref<1007616x64xf32, #tpu.memory_space<hbm>> -> memref<1007616x64xf32, #tpu.memory_space<hbm>>
      tpu.enqueue_indirect_dma source(%dma_start3A_274 : memref<1007616x64xf32, #tpu.memory_space<hbm>>) target(%dma_start3A_270 : memref<128x64xf32, #tpu.memory_space<vmem>>) offsets(%dma_start3A_271 : memref<128xi32, #tpu.memory_space<vmem>>) semaphore(%arg9 : memref<!tpu.dma_semaphore, #tpu.memory_space<semaphore_mem>>)
      %add3A_275 = arith.constant 128 : i32
      %add3A_276 = arith.addi %mul3A_265, %add3A_275 : i32
      %dma_start3A_277 = arith.constant 128 : i32
      %dma_start3A_278 = arith.constant 0 : i32
      %dma_start3A_279 = tpu.memref_slice %arg6[%dma_start3A_277, %dma_start3A_278] : memref<400x64xf32, #tpu.memory_space<vmem>> -> memref<128x64xf32, #tpu.memory_space<vmem>>
      %dma_start3A_280 = tpu.memref_slice %arg5[%add3A_276] : memref<25600xi32, #tpu.memory_space<vmem>> -> memref<128xi32, #tpu.memory_space<vmem>>
      %dma_start3A_281 = arith.constant 0 : i32
      %dma_start3A_282 = arith.constant 0 : i32
      %dma_start3A_283 = tpu.memref_slice %arg3[%dma_start3A_281, %dma_start3A_282] : memref<1007616x64xf32, #tpu.memory_space<hbm>> -> memref<1007616x64xf32, #tpu.memory_space<hbm>>
      tpu.enqueue_indirect_dma source(%dma_start3A_283 : memref<1007616x64xf32, #tpu.memory_space<hbm>>) target(%dma_start3A_279 : memref<128x64xf32, #tpu.memory_space<vmem>>) offsets(%dma_start3A_280 : memref<128xi32, #tpu.memory_space<vmem>>) semaphore(%arg9 : memref<!tpu.dma_semaphore, #tpu.memory_space<semaphore_mem>>)
      %add3A_284 = arith.constant 256 : i32
      %add3A_285 = arith.addi %mul3A_265, %add3A_284 : i32
      %dma_start3A_286 = arith.constant 256 : i32
      %dma_start3A_287 = arith.constant 0 : i32
      %dma_start3A_288 = tpu.memref_slice %arg6[%dma_start3A_286, %dma_start3A_287] : memref<400x64xf32, #tpu.memory_space<vmem>> -> memref<128x64xf32, #tpu.memory_space<vmem>>
      %dma_start3A_289 = tpu.memref_slice %arg5[%add3A_285] : memref<25600xi32, #tpu.memory_space<vmem>> -> memref<128xi32, #tpu.memory_space<vmem>>
      %dma_start3A_290 = arith.constant 0 : i32
      %dma_start3A_291 = arith.constant 0 : i32
      %dma_start3A_292 = tpu.memref_slice %arg3[%dma_start3A_290, %dma_start3A_291] : memref<1007616x64xf32, #tpu.memory_space<hbm>> -> memref<1007616x64xf32, #tpu.memory_space<hbm>>
      tpu.enqueue_indirect_dma source(%dma_start3A_292 : memref<1007616x64xf32, #tpu.memory_space<hbm>>) target(%dma_start3A_288 : memref<128x64xf32, #tpu.memory_space<vmem>>) offsets(%dma_start3A_289 : memref<128xi32, #tpu.memory_space<vmem>>) semaphore(%arg9 : memref<!tpu.dma_semaphore, #tpu.memory_space<semaphore_mem>>)
      %add3A_293 = arith.constant 384 : i32
      %add3A_294 = arith.addi %mul3A_265, %add3A_293 : i32
      %dma_start3A_295 = arith.constant 384 : i32
      %dma_start3A_296 = arith.constant 0 : i32
      %dma_start3A_297 = tpu.memref_slice %arg6[%dma_start3A_295, %dma_start3A_296] : memref<400x64xf32, #tpu.memory_space<vmem>> -> memref<16x64xf32, #tpu.memory_space<vmem>>
      %dma_start3A_298 = tpu.memref_slice %arg5[%add3A_294] : memref<25600xi32, #tpu.memory_space<vmem>> -> memref<16xi32, #tpu.memory_space<vmem>>
      %dma_start3A_299 = arith.constant 0 : i32
      %dma_start3A_300 = arith.constant 0 : i32
      %dma_start3A_301 = tpu.memref_slice %arg3[%dma_start3A_299, %dma_start3A_300] : memref<1007616x64xf32, #tpu.memory_space<hbm>> -> memref<1007616x64xf32, #tpu.memory_space<hbm>>
      tpu.enqueue_indirect_dma source(%dma_start3A_301 : memref<1007616x64xf32, #tpu.memory_space<hbm>>) target(%dma_start3A_297 : memref<16x64xf32, #tpu.memory_space<vmem>>) offsets(%dma_start3A_298 : memref<16xi32, #tpu.memory_space<vmem>>) semaphore(%arg9 : memref<!tpu.dma_semaphore, #tpu.memory_space<semaphore_mem>>)
      %mul3A_302 = arith.constant 400 : i32
      %mul3A_303 = arith.muli %add3A_76, %mul3A_302 : i32
      %add3A_304 = arith.constant 0 : i32
      %add3A_305 = arith.addi %mul3A_303, %add3A_304 : i32
      %dma_wait3A_306 = arith.constant 0 : i32
      %dma_wait3A_307 = arith.constant 0 : i32
      %dma_wait3A_308 = tpu.memref_slice %arg7[%dma_wait3A_306, %dma_wait3A_307] : memref<400x64xf32, #tpu.memory_space<vmem>> -> memref<128x64xf32, #tpu.memory_space<vmem>>
      %dma_wait3A_309 = tpu.memref_slice %arg5[%add3A_305] : memref<25600xi32, #tpu.memory_space<vmem>> -> memref<128xi32, #tpu.memory_space<vmem>>
      %dma_wait3A_310 = arith.constant 0 : i32
      %dma_wait3A_311 = arith.constant 0 : i32
      %dma_wait3A_312 = tpu.memref_slice %arg3[%dma_wait3A_310, %dma_wait3A_311] : memref<1007616x64xf32, #tpu.memory_space<hbm>> -> memref<1007616x64xf32, #tpu.memory_space<hbm>>
      tpu.wait_indirect_dma semaphore(%arg10 : memref<!tpu.dma_semaphore, #tpu.memory_space<semaphore_mem>>) src(%dma_wait3A_312 : memref<1007616x64xf32, #tpu.memory_space<hbm>>) dst(%dma_wait3A_308 : memref<128x64xf32, #tpu.memory_space<vmem>>)
      %add3A_313 = arith.constant 128 : i32
      %add3A_314 = arith.addi %mul3A_303, %add3A_313 : i32
      %dma_wait3A_315 = arith.constant 128 : i32
      %dma_wait3A_316 = arith.constant 0 : i32
      %dma_wait3A_317 = tpu.memref_slice %arg7[%dma_wait3A_315, %dma_wait3A_316] : memref<400x64xf32, #tpu.memory_space<vmem>> -> memref<128x64xf32, #tpu.memory_space<vmem>>
      %dma_wait3A_318 = tpu.memref_slice %arg5[%add3A_314] : memref<25600xi32, #tpu.memory_space<vmem>> -> memref<128xi32, #tpu.memory_space<vmem>>
      %dma_wait3A_319 = arith.constant 0 : i32
      %dma_wait3A_320 = arith.constant 0 : i32
      %dma_wait3A_321 = tpu.memref_slice %arg3[%dma_wait3A_319, %dma_wait3A_320] : memref<1007616x64xf32, #tpu.memory_space<hbm>> -> memref<1007616x64xf32, #tpu.memory_space<hbm>>
      tpu.wait_indirect_dma semaphore(%arg10 : memref<!tpu.dma_semaphore, #tpu.memory_space<semaphore_mem>>) src(%dma_wait3A_321 : memref<1007616x64xf32, #tpu.memory_space<hbm>>) dst(%dma_wait3A_317 : memref<128x64xf32, #tpu.memory_space<vmem>>)
      %add3A_322 = arith.constant 256 : i32
      %add3A_323 = arith.addi %mul3A_303, %add3A_322 : i32
      %dma_wait3A_324 = arith.constant 256 : i32
      %dma_wait3A_325 = arith.constant 0 : i32
      %dma_wait3A_326 = tpu.memref_slice %arg7[%dma_wait3A_324, %dma_wait3A_325] : memref<400x64xf32, #tpu.memory_space<vmem>> -> memref<128x64xf32, #tpu.memory_space<vmem>>
      %dma_wait3A_327 = tpu.memref_slice %arg5[%add3A_323] : memref<25600xi32, #tpu.memory_space<vmem>> -> memref<128xi32, #tpu.memory_space<vmem>>
      %dma_wait3A_328 = arith.constant 0 : i32
      %dma_wait3A_329 = arith.constant 0 : i32
      %dma_wait3A_330 = tpu.memref_slice %arg3[%dma_wait3A_328, %dma_wait3A_329] : memref<1007616x64xf32, #tpu.memory_space<hbm>> -> memref<1007616x64xf32, #tpu.memory_space<hbm>>
      tpu.wait_indirect_dma semaphore(%arg10 : memref<!tpu.dma_semaphore, #tpu.memory_space<semaphore_mem>>) src(%dma_wait3A_330 : memref<1007616x64xf32, #tpu.memory_space<hbm>>) dst(%dma_wait3A_326 : memref<128x64xf32, #tpu.memory_space<vmem>>)
      %add3A_331 = arith.constant 384 : i32
      %add3A_332 = arith.addi %mul3A_303, %add3A_331 : i32
      %dma_wait3A_333 = arith.constant 384 : i32
      %dma_wait3A_334 = arith.constant 0 : i32
      %dma_wait3A_335 = tpu.memref_slice %arg7[%dma_wait3A_333, %dma_wait3A_334] : memref<400x64xf32, #tpu.memory_space<vmem>> -> memref<16x64xf32, #tpu.memory_space<vmem>>
      %dma_wait3A_336 = tpu.memref_slice %arg5[%add3A_332] : memref<25600xi32, #tpu.memory_space<vmem>> -> memref<16xi32, #tpu.memory_space<vmem>>
      %dma_wait3A_337 = arith.constant 0 : i32
      %dma_wait3A_338 = arith.constant 0 : i32
      %dma_wait3A_339 = tpu.memref_slice %arg3[%dma_wait3A_337, %dma_wait3A_338] : memref<1007616x64xf32, #tpu.memory_space<hbm>> -> memref<1007616x64xf32, #tpu.memory_space<hbm>>
      tpu.wait_indirect_dma semaphore(%arg10 : memref<!tpu.dma_semaphore, #tpu.memory_space<semaphore_mem>>) src(%dma_wait3A_339 : memref<1007616x64xf32, #tpu.memory_space<hbm>>) dst(%dma_wait3A_335 : memref<16x64xf32, #tpu.memory_space<vmem>>)
      %mul3A_340 = arith.constant 2 : i32
      %mul3A_341 = arith.muli %add3A_76, %mul3A_340 : i32
      %broadcast_in_dim3A_342 = arith.constant 0.000000e+00 : f32
      %broadcast_in_dim3A_343 = vector.broadcast %broadcast_in_dim3A_342 : f32 to vector<16xf32>
      %broadcast_in_dim3A_344 = arith.constant 0.000000e+00 : f32
      %broadcast_in_dim3A_345 = vector.broadcast %broadcast_in_dim3A_344 : f32 to vector<16xf32>
      %broadcast_in_dim3A_346 = arith.constant 0.000000e+00 : f32
      %broadcast_in_dim3A_347 = vector.broadcast %broadcast_in_dim3A_346 : f32 to vector<16xf32>
      %broadcast_in_dim3A_348 = arith.constant 0.000000e+00 : f32
      %broadcast_in_dim3A_349 = vector.broadcast %broadcast_in_dim3A_348 : f32 to vector<16xf32>
      %scan3A_350 = arith.constant 0 : i32
      %scan3A_351 = arith.constant 50 : i32
      %scan3A_352 = arith.addi %scan3A_350, %scan3A_351 : i32
      %scan3A_353 = arith.constant 1 : i32
      %scan3A_354:4 = scf.for %scan3A_450 = %scan3A_350 to %scan3A_352 step %scan3A_353 iter_args(%scan3A_451 = %broadcast_in_dim3A_343, %scan3A_452 = %broadcast_in_dim3A_345, %scan3A_453 = %broadcast_in_dim3A_347, %scan3A_454 = %broadcast_in_dim3A_349) -> (vector<16xf32>, vector<16xf32>, vector<16xf32>, vector<16xf32>)  : i32 {
        %mul3A_455 = arith.constant 4 : i32
        %mul3A_456 = arith.muli %scan3A_450, %mul3A_455 : i32
        %add3A_457 = arith.constant 0 : i32
        %add3A_458 = arith.addi %add3A_457, %mul3A_456 : i32
        %add3A_459 = arith.constant 0 : i32
        %add3A_460 = arith.addi %add3A_458, %add3A_459 : i32
        %get3A = arith.index_cast %add3A_460 : i32 to index
        %get3A_461 = arith.constant 0 : index
        %get3A_462 = tpu.vector_load %arg7[%get3A, %get3A_461] {strides = array<i32>} : memref<400x64xf32, #tpu.memory_space<vmem>>, vector<1x16xf32>,
        %get3A_463 = vector.shape_cast %get3A_462 : vector<1x16xf32> to vector<16xf32>
        %add3A_464 = arith.addf %scan3A_451, %get3A_463 : vector<16xf32>
        %get3A_465 = arith.index_cast %add3A_460 : i32 to index
        %get3A_466 = arith.constant 16 : index
        %get3A_467 = tpu.vector_load %arg7[%get3A_465, %get3A_466] {strides = array<i32>} : memref<400x64xf32, #tpu.memory_space<vmem>>, vector<1x16xf32>,
        %get3A_468 = vector.shape_cast %get3A_467 : vector<1x16xf32> to vector<16xf32>
        %add3A_469 = arith.addf %scan3A_452, %get3A_468 : vector<16xf32>
        %get3A_470 = arith.index_cast %add3A_460 : i32 to index
        %get3A_471 = arith.constant 32 : index
        %get3A_472 = tpu.vector_load %arg7[%get3A_470, %get3A_471] {strides = array<i32>} : memref<400x64xf32, #tpu.memory_space<vmem>>, vector<1x16xf32>,
        %get3A_473 = vector.shape_cast %get3A_472 : vector<1x16xf32> to vector<16xf32>
        %add3A_474 = arith.addf %scan3A_453, %get3A_473 : vector<16xf32>
        %get3A_475 = arith.index_cast %add3A_460 : i32 to index
        %get3A_476 = arith.constant 48 : index
        %get3A_477 = tpu.vector_load %arg7[%get3A_475, %get3A_476] {strides = array<i32>} : memref<400x64xf32, #tpu.memory_space<vmem>>, vector<1x16xf32>,
        %get3A_478 = vector.shape_cast %get3A_477 : vector<1x16xf32> to vector<16xf32>
        %add3A_479 = arith.addf %scan3A_454, %get3A_478 : vector<16xf32>
        %mul3A_480 = arith.constant 4 : i32
        %mul3A_481 = arith.muli %scan3A_450, %mul3A_480 : i32
        %add3A_482 = arith.constant 0 : i32
        %add3A_483 = arith.addi %add3A_482, %mul3A_481 : i32
        %add3A_484 = arith.constant 1 : i32
        %add3A_485 = arith.addi %add3A_483, %add3A_484 : i32
        %get3A_486 = arith.index_cast %add3A_485 : i32 to index
        %get3A_487 = arith.constant 0 : index
        %get3A_488 = tpu.vector_load %arg7[%get3A_486, %get3A_487] {strides = array<i32>} : memref<400x64xf32, #tpu.memory_space<vmem>>, vector<1x16xf32>,
        %get3A_489 = vector.shape_cast %get3A_488 : vector<1x16xf32> to vector<16xf32>
        %add3A_490 = arith.addf %add3A_464, %get3A_489 : vector<16xf32>
        %get3A_491 = arith.index_cast %add3A_485 : i32 to index
        %get3A_492 = arith.constant 16 : index
        %get3A_493 = tpu.vector_load %arg7[%get3A_491, %get3A_492] {strides = array<i32>} : memref<400x64xf32, #tpu.memory_space<vmem>>, vector<1x16xf32>,
        %get3A_494 = vector.shape_cast %get3A_493 : vector<1x16xf32> to vector<16xf32>
        %add3A_495 = arith.addf %add3A_469, %get3A_494 : vector<16xf32>
        %get3A_496 = arith.index_cast %add3A_485 : i32 to index
        %get3A_497 = arith.constant 32 : index
        %get3A_498 = tpu.vector_load %arg7[%get3A_496, %get3A_497] {strides = array<i32>} : memref<400x64xf32, #tpu.memory_space<vmem>>, vector<1x16xf32>,
        %get3A_499 = vector.shape_cast %get3A_498 : vector<1x16xf32> to vector<16xf32>
        %add3A_500 = arith.addf %add3A_474, %get3A_499 : vector<16xf32>
        %get3A_501 = arith.index_cast %add3A_485 : i32 to index
        %get3A_502 = arith.constant 48 : index
        %get3A_503 = tpu.vector_load %arg7[%get3A_501, %get3A_502] {strides = array<i32>} : memref<400x64xf32, #tpu.memory_space<vmem>>, vector<1x16xf32>,
        %get3A_504 = vector.shape_cast %get3A_503 : vector<1x16xf32> to vector<16xf32>
        %add3A_505 = arith.addf %add3A_479, %get3A_504 : vector<16xf32>
        %mul3A_506 = arith.constant 4 : i32
        %mul3A_507 = arith.muli %scan3A_450, %mul3A_506 : i32
        %add3A_508 = arith.constant 0 : i32
        %add3A_509 = arith.addi %add3A_508, %mul3A_507 : i32
        %add3A_510 = arith.constant 2 : i32
        %add3A_511 = arith.addi %add3A_509, %add3A_510 : i32
        %get3A_512 = arith.index_cast %add3A_511 : i32 to index
        %get3A_513 = arith.constant 0 : index
        %get3A_514 = tpu.vector_load %arg7[%get3A_512, %get3A_513] {strides = array<i32>} : memref<400x64xf32, #tpu.memory_space<vmem>>, vector<1x16xf32>,
        %get3A_515 = vector.shape_cast %get3A_514 : vector<1x16xf32> to vector<16xf32>
        %add3A_516 = arith.addf %add3A_490, %get3A_515 : vector<16xf32>
        %get3A_517 = arith.index_cast %add3A_511 : i32 to index
        %get3A_518 = arith.constant 16 : index
        %get3A_519 = tpu.vector_load %arg7[%get3A_517, %get3A_518] {strides = array<i32>} : memref<400x64xf32, #tpu.memory_space<vmem>>, vector<1x16xf32>,
        %get3A_520 = vector.shape_cast %get3A_519 : vector<1x16xf32> to vector<16xf32>
        %add3A_521 = arith.addf %add3A_495, %get3A_520 : vector<16xf32>
        %get3A_522 = arith.index_cast %add3A_511 : i32 to index
        %get3A_523 = arith.constant 32 : index
        %get3A_524 = tpu.vector_load %arg7[%get3A_522, %get3A_523] {strides = array<i32>} : memref<400x64xf32, #tpu.memory_space<vmem>>, vector<1x16xf32>,
        %get3A_525 = vector.shape_cast %get3A_524 : vector<1x16xf32> to vector<16xf32>
        %add3A_526 = arith.addf %add3A_500, %get3A_525 : vector<16xf32>
        %get3A_527 = arith.index_cast %add3A_511 : i32 to index
        %get3A_528 = arith.constant 48 : index
        %get3A_529 = tpu.vector_load %arg7[%get3A_527, %get3A_528] {strides = array<i32>} : memref<400x64xf32, #tpu.memory_space<vmem>>, vector<1x16xf32>,
        %get3A_530 = vector.shape_cast %get3A_529 : vector<1x16xf32> to vector<16xf32>
        %add3A_531 = arith.addf %add3A_505, %get3A_530 : vector<16xf32>
        %mul3A_532 = arith.constant 4 : i32
        %mul3A_533 = arith.muli %scan3A_450, %mul3A_532 : i32
        %add3A_534 = arith.constant 0 : i32
        %add3A_535 = arith.addi %add3A_534, %mul3A_533 : i32
        %add3A_536 = arith.constant 3 : i32
        %add3A_537 = arith.addi %add3A_535, %add3A_536 : i32
        %get3A_538 = arith.index_cast %add3A_537 : i32 to index
        %get3A_539 = arith.constant 0 : index
        %get3A_540 = tpu.vector_load %arg7[%get3A_538, %get3A_539] {strides = array<i32>} : memref<400x64xf32, #tpu.memory_space<vmem>>, vector<1x16xf32>,
        %get3A_541 = vector.shape_cast %get3A_540 : vector<1x16xf32> to vector<16xf32>
        %add3A_542 = arith.addf %add3A_516, %get3A_541 : vector<16xf32>
        %get3A_543 = arith.index_cast %add3A_537 : i32 to index
        %get3A_544 = arith.constant 16 : index
        %get3A_545 = tpu.vector_load %arg7[%get3A_543, %get3A_544] {strides = array<i32>} : memref<400x64xf32, #tpu.memory_space<vmem>>, vector<1x16xf32>,
        %get3A_546 = vector.shape_cast %get3A_545 : vector<1x16xf32> to vector<16xf32>
        %add3A_547 = arith.addf %add3A_521, %get3A_546 : vector<16xf32>
        %get3A_548 = arith.index_cast %add3A_537 : i32 to index
        %get3A_549 = arith.constant 32 : index
        %get3A_550 = tpu.vector_load %arg7[%get3A_548, %get3A_549] {strides = array<i32>} : memref<400x64xf32, #tpu.memory_space<vmem>>, vector<1x16xf32>,
        %get3A_551 = vector.shape_cast %get3A_550 : vector<1x16xf32> to vector<16xf32>
        %add3A_552 = arith.addf %add3A_526, %get3A_551 : vector<16xf32>
        %get3A_553 = arith.index_cast %add3A_537 : i32 to index
        %get3A_554 = arith.constant 48 : index
        %get3A_555 = tpu.vector_load %arg7[%get3A_553, %get3A_554] {strides = array<i32>} : memref<400x64xf32, #tpu.memory_space<vmem>>, vector<1x16xf32>,
        %get3A_556 = vector.shape_cast %get3A_555 : vector<1x16xf32> to vector<16xf32>
        %add3A_557 = arith.addf %add3A_531, %get3A_556 : vector<16xf32>
        scf.yield %add3A_542, %add3A_547, %add3A_552, %add3A_557 : vector<16xf32>, vector<16xf32>, vector<16xf32>, vector<16xf32>
      }
      %scan3A_355 = arith.constant 50 : i32
      %mul3A_356 = arith.constant 5.000000e-03 : f32
      %mul3A_357 = vector.broadcast %mul3A_356 : f32 to vector<16xf32>
      %mul3A_358 = arith.mulf %scan3A_354#0, %mul3A_357 : vector<16xf32>
      %add3A_359 = arith.constant 0 : i32
      %add3A_360 = arith.addi %mul3A_341, %add3A_359 : i32
      %swap3A_361 = arith.index_cast %add3A_360 : i32 to index
      %swap3A_362 = arith.constant 0 : index
      %swap3A_363 = tpu.vector_load %arg8[%swap3A_361, %swap3A_362] {strides = array<i32>} : memref<128x64xf32, #tpu.memory_space<vmem>>, vector<1x16xf32>,
      %swap3A_364 = vector.shape_cast %swap3A_363 : vector<1x16xf32> to vector<16xf32>
      %swap3A_365 = vector.shape_cast %mul3A_358 : vector<16xf32> to vector<1x16xf32>
      tpu.vector_store %arg8[%swap3A_361, %swap3A_362], %swap3A_365 {strides = array<i32>} : memref<128x64xf32, #tpu.memory_space<vmem>>, vector<1x16xf32>,
      %mul3A_366 = arith.constant 5.000000e-03 : f32
      %mul3A_367 = vector.broadcast %mul3A_366 : f32 to vector<16xf32>
      %mul3A_368 = arith.mulf %scan3A_354#1, %mul3A_367 : vector<16xf32>
      %add3A_369 = arith.constant 0 : i32
      %add3A_370 = arith.addi %mul3A_341, %add3A_369 : i32
      %swap3A_371 = arith.index_cast %add3A_370 : i32 to index
      %swap3A_372 = arith.constant 16 : index
      %swap3A_373 = tpu.vector_load %arg8[%swap3A_371, %swap3A_372] {strides = array<i32>} : memref<128x64xf32, #tpu.memory_space<vmem>>, vector<1x16xf32>,
      %swap3A_374 = vector.shape_cast %swap3A_373 : vector<1x16xf32> to vector<16xf32>
      %swap3A_375 = vector.shape_cast %mul3A_368 : vector<16xf32> to vector<1x16xf32>
      tpu.vector_store %arg8[%swap3A_371, %swap3A_372], %swap3A_375 {strides = array<i32>} : memref<128x64xf32, #tpu.memory_space<vmem>>, vector<1x16xf32>,
      %mul3A_376 = arith.constant 5.000000e-03 : f32
      %mul3A_377 = vector.broadcast %mul3A_376 : f32 to vector<16xf32>
      %mul3A_378 = arith.mulf %scan3A_354#2, %mul3A_377 : vector<16xf32>
      %add3A_379 = arith.constant 0 : i32
      %add3A_380 = arith.addi %mul3A_341, %add3A_379 : i32
      %swap3A_381 = arith.index_cast %add3A_380 : i32 to index
      %swap3A_382 = arith.constant 32 : index
      %swap3A_383 = tpu.vector_load %arg8[%swap3A_381, %swap3A_382] {strides = array<i32>} : memref<128x64xf32, #tpu.memory_space<vmem>>, vector<1x16xf32>,
      %swap3A_384 = vector.shape_cast %swap3A_383 : vector<1x16xf32> to vector<16xf32>
      %swap3A_385 = vector.shape_cast %mul3A_378 : vector<16xf32> to vector<1x16xf32>
      tpu.vector_store %arg8[%swap3A_381, %swap3A_382], %swap3A_385 {strides = array<i32>} : memref<128x64xf32, #tpu.memory_space<vmem>>, vector<1x16xf32>,
      %mul3A_386 = arith.constant 5.000000e-03 : f32
      %mul3A_387 = vector.broadcast %mul3A_386 : f32 to vector<16xf32>
      %mul3A_388 = arith.mulf %scan3A_354#3, %mul3A_387 : vector<16xf32>
      %add3A_389 = arith.constant 0 : i32
      %add3A_390 = arith.addi %mul3A_341, %add3A_389 : i32
      %swap3A_391 = arith.index_cast %add3A_390 : i32 to index
      %swap3A_392 = arith.constant 48 : index
      %swap3A_393 = tpu.vector_load %arg8[%swap3A_391, %swap3A_392] {strides = array<i32>} : memref<128x64xf32, #tpu.memory_space<vmem>>, vector<1x16xf32>,
      %swap3A_394 = vector.shape_cast %swap3A_393 : vector<1x16xf32> to vector<16xf32>
      %swap3A_395 = vector.shape_cast %mul3A_388 : vector<16xf32> to vector<1x16xf32>
      tpu.vector_store %arg8[%swap3A_391, %swap3A_392], %swap3A_395 {strides = array<i32>} : memref<128x64xf32, #tpu.memory_space<vmem>>, vector<1x16xf32>,
      %broadcast_in_dim3A_396 = arith.constant 0.000000e+00 : f32
      %broadcast_in_dim3A_397 = vector.broadcast %broadcast_in_dim3A_396 : f32 to vector<16xf32>
      %broadcast_in_dim3A_398 = arith.constant 0.000000e+00 : f32
      %broadcast_in_dim3A_399 = vector.broadcast %broadcast_in_dim3A_398 : f32 to vector<16xf32>
      %broadcast_in_dim3A_400 = arith.constant 0.000000e+00 : f32
      %broadcast_in_dim3A_401 = vector.broadcast %broadcast_in_dim3A_400 : f32 to vector<16xf32>
      %broadcast_in_dim3A_402 = arith.constant 0.000000e+00 : f32
      %broadcast_in_dim3A_403 = vector.broadcast %broadcast_in_dim3A_402 : f32 to vector<16xf32>
      %scan3A_404 = arith.constant 0 : i32
      %scan3A_405 = arith.constant 50 : i32
      %scan3A_406 = arith.addi %scan3A_404, %scan3A_405 : i32
      %scan3A_407 = arith.constant 1 : i32
      %scan3A_408:4 = scf.for %scan3A_450 = %scan3A_404 to %scan3A_406 step %scan3A_407 iter_args(%scan3A_451 = %broadcast_in_dim3A_397, %scan3A_452 = %broadcast_in_dim3A_399, %scan3A_453 = %broadcast_in_dim3A_401, %scan3A_454 = %broadcast_in_dim3A_403) -> (vector<16xf32>, vector<16xf32>, vector<16xf32>, vector<16xf32>)  : i32 {
        %mul3A_455 = arith.constant 4 : i32
        %mul3A_456 = arith.muli %scan3A_450, %mul3A_455 : i32
        %add3A_457 = arith.constant 200 : i32
        %add3A_458 = arith.addi %add3A_457, %mul3A_456 : i32
        %add3A_459 = arith.constant 0 : i32
        %add3A_460 = arith.addi %add3A_458, %add3A_459 : i32
        %get3A = arith.index_cast %add3A_460 : i32 to index
        %get3A_461 = arith.constant 0 : index
        %get3A_462 = tpu.vector_load %arg7[%get3A, %get3A_461] {strides = array<i32>} : memref<400x64xf32, #tpu.memory_space<vmem>>, vector<1x16xf32>,
        %get3A_463 = vector.shape_cast %get3A_462 : vector<1x16xf32> to vector<16xf32>
        %add3A_464 = arith.addf %scan3A_451, %get3A_463 : vector<16xf32>
        %get3A_465 = arith.index_cast %add3A_460 : i32 to index
        %get3A_466 = arith.constant 16 : index
        %get3A_467 = tpu.vector_load %arg7[%get3A_465, %get3A_466] {strides = array<i32>} : memref<400x64xf32, #tpu.memory_space<vmem>>, vector<1x16xf32>,
        %get3A_468 = vector.shape_cast %get3A_467 : vector<1x16xf32> to vector<16xf32>
        %add3A_469 = arith.addf %scan3A_452, %get3A_468 : vector<16xf32>
        %get3A_470 = arith.index_cast %add3A_460 : i32 to index
        %get3A_471 = arith.constant 32 : index
        %get3A_472 = tpu.vector_load %arg7[%get3A_470, %get3A_471] {strides = array<i32>} : memref<400x64xf32, #tpu.memory_space<vmem>>, vector<1x16xf32>,
        %get3A_473 = vector.shape_cast %get3A_472 : vector<1x16xf32> to vector<16xf32>
        %add3A_474 = arith.addf %scan3A_453, %get3A_473 : vector<16xf32>
        %get3A_475 = arith.index_cast %add3A_460 : i32 to index
        %get3A_476 = arith.constant 48 : index
        %get3A_477 = tpu.vector_load %arg7[%get3A_475, %get3A_476] {strides = array<i32>} : memref<400x64xf32, #tpu.memory_space<vmem>>, vector<1x16xf32>,
        %get3A_478 = vector.shape_cast %get3A_477 : vector<1x16xf32> to vector<16xf32>
        %add3A_479 = arith.addf %scan3A_454, %get3A_478 : vector<16xf32>
        %mul3A_480 = arith.constant 4 : i32
        %mul3A_481 = arith.muli %scan3A_450, %mul3A_480 : i32
        %add3A_482 = arith.constant 200 : i32
        %add3A_483 = arith.addi %add3A_482, %mul3A_481 : i32
        %add3A_484 = arith.constant 1 : i32
        %add3A_485 = arith.addi %add3A_483, %add3A_484 : i32
        %get3A_486 = arith.index_cast %add3A_485 : i32 to index
        %get3A_487 = arith.constant 0 : index
        %get3A_488 = tpu.vector_load %arg7[%get3A_486, %get3A_487] {strides = array<i32>} : memref<400x64xf32, #tpu.memory_space<vmem>>, vector<1x16xf32>,
        %get3A_489 = vector.shape_cast %get3A_488 : vector<1x16xf32> to vector<16xf32>
        %add3A_490 = arith.addf %add3A_464, %get3A_489 : vector<16xf32>
        %get3A_491 = arith.index_cast %add3A_485 : i32 to index
        %get3A_492 = arith.constant 16 : index
        %get3A_493 = tpu.vector_load %arg7[%get3A_491, %get3A_492] {strides = array<i32>} : memref<400x64xf32, #tpu.memory_space<vmem>>, vector<1x16xf32>,
        %get3A_494 = vector.shape_cast %get3A_493 : vector<1x16xf32> to vector<16xf32>
        %add3A_495 = arith.addf %add3A_469, %get3A_494 : vector<16xf32>
        %get3A_496 = arith.index_cast %add3A_485 : i32 to index
        %get3A_497 = arith.constant 32 : index
        %get3A_498 = tpu.vector_load %arg7[%get3A_496, %get3A_497] {strides = array<i32>} : memref<400x64xf32, #tpu.memory_space<vmem>>, vector<1x16xf32>,
        %get3A_499 = vector.shape_cast %get3A_498 : vector<1x16xf32> to vector<16xf32>
        %add3A_500 = arith.addf %add3A_474, %get3A_499 : vector<16xf32>
        %get3A_501 = arith.index_cast %add3A_485 : i32 to index
        %get3A_502 = arith.constant 48 : index
        %get3A_503 = tpu.vector_load %arg7[%get3A_501, %get3A_502] {strides = array<i32>} : memref<400x64xf32, #tpu.memory_space<vmem>>, vector<1x16xf32>,
        %get3A_504 = vector.shape_cast %get3A_503 : vector<1x16xf32> to vector<16xf32>
        %add3A_505 = arith.addf %add3A_479, %get3A_504 : vector<16xf32>
        %mul3A_506 = arith.constant 4 : i32
        %mul3A_507 = arith.muli %scan3A_450, %mul3A_506 : i32
        %add3A_508 = arith.constant 200 : i32
        %add3A_509 = arith.addi %add3A_508, %mul3A_507 : i32
        %add3A_510 = arith.constant 2 : i32
        %add3A_511 = arith.addi %add3A_509, %add3A_510 : i32
        %get3A_512 = arith.index_cast %add3A_511 : i32 to index
        %get3A_513 = arith.constant 0 : index
        %get3A_514 = tpu.vector_load %arg7[%get3A_512, %get3A_513] {strides = array<i32>} : memref<400x64xf32, #tpu.memory_space<vmem>>, vector<1x16xf32>,
        %get3A_515 = vector.shape_cast %get3A_514 : vector<1x16xf32> to vector<16xf32>
        %add3A_516 = arith.addf %add3A_490, %get3A_515 : vector<16xf32>
        %get3A_517 = arith.index_cast %add3A_511 : i32 to index
        %get3A_518 = arith.constant 16 : index
        %get3A_519 = tpu.vector_load %arg7[%get3A_517, %get3A_518] {strides = array<i32>} : memref<400x64xf32, #tpu.memory_space<vmem>>, vector<1x16xf32>,
        %get3A_520 = vector.shape_cast %get3A_519 : vector<1x16xf32> to vector<16xf32>
        %add3A_521 = arith.addf %add3A_495, %get3A_520 : vector<16xf32>
        %get3A_522 = arith.index_cast %add3A_511 : i32 to index
        %get3A_523 = arith.constant 32 : index
        %get3A_524 = tpu.vector_load %arg7[%get3A_522, %get3A_523] {strides = array<i32>} : memref<400x64xf32, #tpu.memory_space<vmem>>, vector<1x16xf32>,
        %get3A_525 = vector.shape_cast %get3A_524 : vector<1x16xf32> to vector<16xf32>
        %add3A_526 = arith.addf %add3A_500, %get3A_525 : vector<16xf32>
        %get3A_527 = arith.index_cast %add3A_511 : i32 to index
        %get3A_528 = arith.constant 48 : index
        %get3A_529 = tpu.vector_load %arg7[%get3A_527, %get3A_528] {strides = array<i32>} : memref<400x64xf32, #tpu.memory_space<vmem>>, vector<1x16xf32>,
        %get3A_530 = vector.shape_cast %get3A_529 : vector<1x16xf32> to vector<16xf32>
        %add3A_531 = arith.addf %add3A_505, %get3A_530 : vector<16xf32>
        %mul3A_532 = arith.constant 4 : i32
        %mul3A_533 = arith.muli %scan3A_450, %mul3A_532 : i32
        %add3A_534 = arith.constant 200 : i32
        %add3A_535 = arith.addi %add3A_534, %mul3A_533 : i32
        %add3A_536 = arith.constant 3 : i32
        %add3A_537 = arith.addi %add3A_535, %add3A_536 : i32
        %get3A_538 = arith.index_cast %add3A_537 : i32 to index
        %get3A_539 = arith.constant 0 : index
        %get3A_540 = tpu.vector_load %arg7[%get3A_538, %get3A_539] {strides = array<i32>} : memref<400x64xf32, #tpu.memory_space<vmem>>, vector<1x16xf32>,
        %get3A_541 = vector.shape_cast %get3A_540 : vector<1x16xf32> to vector<16xf32>
        %add3A_542 = arith.addf %add3A_516, %get3A_541 : vector<16xf32>
        %get3A_543 = arith.index_cast %add3A_537 : i32 to index
        %get3A_544 = arith.constant 16 : index
        %get3A_545 = tpu.vector_load %arg7[%get3A_543, %get3A_544] {strides = array<i32>} : memref<400x64xf32, #tpu.memory_space<vmem>>, vector<1x16xf32>,
        %get3A_546 = vector.shape_cast %get3A_545 : vector<1x16xf32> to vector<16xf32>
        %add3A_547 = arith.addf %add3A_521, %get3A_546 : vector<16xf32>
        %get3A_548 = arith.index_cast %add3A_537 : i32 to index
        %get3A_549 = arith.constant 32 : index
        %get3A_550 = tpu.vector_load %arg7[%get3A_548, %get3A_549] {strides = array<i32>} : memref<400x64xf32, #tpu.memory_space<vmem>>, vector<1x16xf32>,
        %get3A_551 = vector.shape_cast %get3A_550 : vector<1x16xf32> to vector<16xf32>
        %add3A_552 = arith.addf %add3A_526, %get3A_551 : vector<16xf32>
        %get3A_553 = arith.index_cast %add3A_537 : i32 to index
        %get3A_554 = arith.constant 48 : index
        %get3A_555 = tpu.vector_load %arg7[%get3A_553, %get3A_554] {strides = array<i32>} : memref<400x64xf32, #tpu.memory_space<vmem>>, vector<1x16xf32>,
        %get3A_556 = vector.shape_cast %get3A_555 : vector<1x16xf32> to vector<16xf32>
        %add3A_557 = arith.addf %add3A_531, %get3A_556 : vector<16xf32>
        scf.yield %add3A_542, %add3A_547, %add3A_552, %add3A_557 : vector<16xf32>, vector<16xf32>, vector<16xf32>, vector<16xf32>
      }
      %scan3A_409 = arith.constant 50 : i32
      %mul3A_410 = arith.constant 5.000000e-03 : f32
      %mul3A_411 = vector.broadcast %mul3A_410 : f32 to vector<16xf32>
      %mul3A_412 = arith.mulf %scan3A_408#0, %mul3A_411 : vector<16xf32>
      %add3A_413 = arith.constant 1 : i32
      %add3A_414 = arith.addi %mul3A_341, %add3A_413 : i32
      %swap3A_415 = arith.index_cast %add3A_414 : i32 to index
      %swap3A_416 = arith.constant 0 : index
      %swap3A_417 = tpu.vector_load %arg8[%swap3A_415, %swap3A_416] {strides = array<i32>} : memref<128x64xf32, #tpu.memory_space<vmem>>, vector<1x16xf32>,
      %swap3A_418 = vector.shape_cast %swap3A_417 : vector<1x16xf32> to vector<16xf32>
      %swap3A_419 = vector.shape_cast %mul3A_412 : vector<16xf32> to vector<1x16xf32>
      tpu.vector_store %arg8[%swap3A_415, %swap3A_416], %swap3A_419 {strides = array<i32>} : memref<128x64xf32, #tpu.memory_space<vmem>>, vector<1x16xf32>,
      %mul3A_420 = arith.constant 5.000000e-03 : f32
      %mul3A_421 = vector.broadcast %mul3A_420 : f32 to vector<16xf32>
      %mul3A_422 = arith.mulf %scan3A_408#1, %mul3A_421 : vector<16xf32>
      %add3A_423 = arith.constant 1 : i32
      %add3A_424 = arith.addi %mul3A_341, %add3A_423 : i32
      %swap3A_425 = arith.index_cast %add3A_424 : i32 to index
      %swap3A_426 = arith.constant 16 : index
      %swap3A_427 = tpu.vector_load %arg8[%swap3A_425, %swap3A_426] {strides = array<i32>} : memref<128x64xf32, #tpu.memory_space<vmem>>, vector<1x16xf32>,
      %swap3A_428 = vector.shape_cast %swap3A_427 : vector<1x16xf32> to vector<16xf32>
      %swap3A_429 = vector.shape_cast %mul3A_422 : vector<16xf32> to vector<1x16xf32>
      tpu.vector_store %arg8[%swap3A_425, %swap3A_426], %swap3A_429 {strides = array<i32>} : memref<128x64xf32, #tpu.memory_space<vmem>>, vector<1x16xf32>,
      %mul3A_430 = arith.constant 5.000000e-03 : f32
      %mul3A_431 = vector.broadcast %mul3A_430 : f32 to vector<16xf32>
      %mul3A_432 = arith.mulf %scan3A_408#2, %mul3A_431 : vector<16xf32>
      %add3A_433 = arith.constant 1 : i32
      %add3A_434 = arith.addi %mul3A_341, %add3A_433 : i32
      %swap3A_435 = arith.index_cast %add3A_434 : i32 to index
      %swap3A_436 = arith.constant 32 : index
      %swap3A_437 = tpu.vector_load %arg8[%swap3A_435, %swap3A_436] {strides = array<i32>} : memref<128x64xf32, #tpu.memory_space<vmem>>, vector<1x16xf32>,
      %swap3A_438 = vector.shape_cast %swap3A_437 : vector<1x16xf32> to vector<16xf32>
      %swap3A_439 = vector.shape_cast %mul3A_432 : vector<16xf32> to vector<1x16xf32>
      tpu.vector_store %arg8[%swap3A_435, %swap3A_436], %swap3A_439 {strides = array<i32>} : memref<128x64xf32, #tpu.memory_space<vmem>>, vector<1x16xf32>,
      %mul3A_440 = arith.constant 5.000000e-03 : f32
      %mul3A_441 = vector.broadcast %mul3A_440 : f32 to vector<16xf32>
      %mul3A_442 = arith.mulf %scan3A_408#3, %mul3A_441 : vector<16xf32>
      %add3A_443 = arith.constant 1 : i32
      %add3A_444 = arith.addi %mul3A_341, %add3A_443 : i32
      %swap3A_445 = arith.index_cast %add3A_444 : i32 to index
      %swap3A_446 = arith.constant 48 : index
      %swap3A_447 = tpu.vector_load %arg8[%swap3A_445, %swap3A_446] {strides = array<i32>} : memref<128x64xf32, #tpu.memory_space<vmem>>, vector<1x16xf32>,
      %swap3A_448 = vector.shape_cast %swap3A_447 : vector<1x16xf32> to vector<16xf32>
      %swap3A_449 = vector.shape_cast %mul3A_442 : vector<16xf32> to vector<1x16xf32>
      tpu.vector_store %arg8[%swap3A_445, %swap3A_446], %swap3A_449 {strides = array<i32>} : memref<128x64xf32, #tpu.memory_space<vmem>>, vector<1x16xf32>,
    }
    %scan3A_40 = arith.constant 32 : i32
    %dma_wait3A = arith.constant 0 : i32
    %dma_wait3A_41 = arith.constant 0 : i32
    %dma_wait3A_42 = tpu.memref_slice %arg6[%dma_wait3A, %dma_wait3A_41] : memref<400x64xf32, #tpu.memory_space<vmem>> -> memref<128x64xf32, #tpu.memory_space<vmem>>
    %dma_wait3A_43 = arith.constant 24800 : i32
    %dma_wait3A_44 = tpu.memref_slice %arg5[%dma_wait3A_43] : memref<25600xi32, #tpu.memory_space<vmem>> -> memref<128xi32, #tpu.memory_space<vmem>>
    %dma_wait3A_45 = arith.constant 0 : i32
    %dma_wait3A_46 = arith.constant 0 : i32
    %dma_wait3A_47 = tpu.memref_slice %arg3[%dma_wait3A_45, %dma_wait3A_46] : memref<1007616x64xf32, #tpu.memory_space<hbm>> -> memref<1007616x64xf32, #tpu.memory_space<hbm>>
    tpu.wait_indirect_dma semaphore(%arg9 : memref<!tpu.dma_semaphore, #tpu.memory_space<semaphore_mem>>) src(%dma_wait3A_47 : memref<1007616x64xf32, #tpu.memory_space<hbm>>) dst(%dma_wait3A_42 : memref<128x64xf32, #tpu.memory_space<vmem>>)
    %dma_wait3A_48 = arith.constant 128 : i32
    %dma_wait3A_49 = arith.constant 0 : i32
    %dma_wait3A_50 = tpu.memref_slice %arg6[%dma_wait3A_48, %dma_wait3A_49] : memref<400x64xf32, #tpu.memory_space<vmem>> -> memref<128x64xf32, #tpu.memory_space<vmem>>
    %dma_wait3A_51 = arith.constant 24928 : i32
    %dma_wait3A_52 = tpu.memref_slice %arg5[%dma_wait3A_51] : memref<25600xi32, #tpu.memory_space<vmem>> -> memref<128xi32, #tpu.memory_space<vmem>>
    %dma_wait3A_53 = arith.constant 0 : i32
    %dma_wait3A_54 = arith.constant 0 : i32
    %dma_wait3A_55 = tpu.memref_slice %arg3[%dma_wait3A_53, %dma_wait3A_54] : memref<1007616x64xf32, #tpu.memory_space<hbm>> -> memref<1007616x64xf32, #tpu.memory_space<hbm>>
    tpu.wait_indirect_dma semaphore(%arg9 : memref<!tpu.dma_semaphore, #tpu.memory_space<semaphore_mem>>) src(%dma_wait3A_55 : memref<1007616x64xf32, #tpu.memory_space<hbm>>) dst(%dma_wait3A_50 : memref<128x64xf32, #tpu.memory_space<vmem>>)
    %dma_wait3A_56 = arith.constant 256 : i32
    %dma_wait3A_57 = arith.constant 0 : i32
    %dma_wait3A_58 = tpu.memref_slice %arg6[%dma_wait3A_56, %dma_wait3A_57] : memref<400x64xf32, #tpu.memory_space<vmem>> -> memref<128x64xf32, #tpu.memory_space<vmem>>
    %dma_wait3A_59 = arith.constant 25056 : i32
    %dma_wait3A_60 = tpu.memref_slice %arg5[%dma_wait3A_59] : memref<25600xi32, #tpu.memory_space<vmem>> -> memref<128xi32, #tpu.memory_space<vmem>>
    %dma_wait3A_61 = arith.constant 0 : i32
    %dma_wait3A_62 = arith.constant 0 : i32
    %dma_wait3A_63 = tpu.memref_slice %arg3[%dma_wait3A_61, %dma_wait3A_62] : memref<1007616x64xf32, #tpu.memory_space<hbm>> -> memref<1007616x64xf32, #tpu.memory_space<hbm>>
    tpu.wait_indirect_dma semaphore(%arg9 : memref<!tpu.dma_semaphore, #tpu.memory_space<semaphore_mem>>) src(%dma_wait3A_63 : memref<1007616x64xf32, #tpu.memory_space<hbm>>) dst(%dma_wait3A_58 : memref<128x64xf32, #tpu.memory_space<vmem>>)
    %dma_wait3A_64 = arith.constant 384 : i32
    %dma_wait3A_65 = arith.constant 0 : i32
    %dma_wait3A_66 = tpu.memref_slice %arg6[%dma_wait3A_64, %dma_wait3A_65] : memref<400x64xf32, #tpu.memory_space<vmem>> -> memref<16x64xf32, #tpu.memory_space<vmem>>
    %dma_wait3A_67 = arith.constant 25184 : i32
    %dma_wait3A_68 = tpu.memref_slice %arg5[%dma_wait3A_67] : memref<25600xi32, #tpu.memory_space<vmem>> -> memref<16xi32, #tpu.memory_space<vmem>>
    %dma_wait3A_69 = arith.constant 0 : i32
    %dma_wait3A_70 = arith.constant 0 : i32
    %dma_wait3A_71 = tpu.memref_slice %arg3[%dma_wait3A_69, %dma_wait3A_70] : memref<1007616x64xf32, #tpu.memory_space<hbm>> -> memref<1007616x64xf32, #tpu.memory_space<hbm>>
    tpu.wait_indirect_dma semaphore(%arg9 : memref<!tpu.dma_semaphore, #tpu.memory_space<semaphore_mem>>) src(%dma_wait3A_71 : memref<1007616x64xf32, #tpu.memory_space<hbm>>) dst(%dma_wait3A_66 : memref<16x64xf32, #tpu.memory_space<vmem>>)
    "tpu.region"() ({
      %run_scoped3A = tpu.sem_alloc : memref<!tpu.dma_semaphore, #tpu.memory_space<semaphore_mem>>
      %dma_start3A_72 = arith.constant 0 : i32
      %dma_start3A_73 = tpu.memref_slice %arg4[%mul3A_2, %dma_start3A_72] : memref<4096x64xf32, #tpu.memory_space<hbm>> -> memref<128x64xf32, #tpu.memory_space<hbm>>
      %dma_start3A_74 = arith.constant 0 : i32
      %dma_start3A_75 = tpu.memref_slice %arg4[%mul3A_2, %dma_start3A_74] : memref<4096x64xf32, #tpu.memory_space<hbm>> -> memref<128x64xf32, #tpu.memory_space<hbm>>
      tpu.enqueue_dma source(%arg8 : memref<128x64xf32, #tpu.memory_space<vmem>>) target(%dma_start3A_75 : memref<128x64xf32, #tpu.memory_space<hbm>>) target_semaphore(%run_scoped3A : memref<!tpu.dma_semaphore, #tpu.memory_space<semaphore_mem>>)
      %dma_wait3A_76 = arith.constant 0 : i32
      %dma_wait3A_77 = tpu.memref_slice %arg4[%mul3A_2, %dma_wait3A_76] : memref<4096x64xf32, #tpu.memory_space<hbm>> -> memref<128x64xf32, #tpu.memory_space<hbm>>
      %dma_wait3A_78 = arith.constant 0 : i32
      %dma_wait3A_79 = tpu.memref_slice %arg4[%mul3A_2, %dma_wait3A_78] : memref<4096x64xf32, #tpu.memory_space<hbm>> -> memref<128x64xf32, #tpu.memory_space<hbm>>
      tpu.wait_dma2 semaphore(%run_scoped3A : memref<!tpu.dma_semaphore, #tpu.memory_space<semaphore_mem>>) src(%arg8 : memref<128x64xf32, #tpu.memory_space<vmem>>) dst(%dma_wait3A_79 : memref<128x64xf32, #tpu.memory_space<hbm>>)
      tpu.yield
    }) : () -> ()
    return
  }
}

module attributes {stable_mosaic.version = 14 : i64} {
  func.func @_tr_body(%arg0: i32, %arg1: memref<64x4096xf32, #tpu.memory_space<vmem>>, %arg2: memref<64x4096xf32, #tpu.memory_space<vmem>>, %arg3: memref<4096x128xf32, #tpu.memory_space<vmem>>) attributes {dimension_semantics = [#tpu.dimension_semantics<arbitrary>], iteration_bounds = array<i64: 123>, scalar_prefetch = 0 : i64, scratch_operands = 0 : i64, tpu.core_type = #tpu.core_type<tc>, window_params = [{transform_indices = @transform_0, window_bounds = array<i64: 64, 4096>}, {transform_indices = @transform_1, window_bounds = array<i64: 64, 4096>}, {transform_indices = @transform_2, window_bounds = array<i64: 4096, 128>}]} {
    %get3A = arith.constant 0 : index
    %get3A_0 = arith.constant 0 : index
    %get3A_1 = vector.load %arg1[%get3A, %get3A_0] : memref<64x4096xf32, #tpu.memory_space<vmem>>, vector<64x4096xf32>
    %transpose3A = tpu.transpose %get3A_1, [1, 0] : vector<64x4096xf32> -> vector<4096x64xf32>
    %swap3A = arith.constant 0 : index
    %swap3A_2 = arith.constant 0 : index
    %swap3A_3 = vector.load %arg3[%swap3A, %swap3A_2] : memref<4096x128xf32, #tpu.memory_space<vmem>>, vector<4096x64xf32>
    tpu.vector_store %arg3[%swap3A, %swap3A_2], %transpose3A {strides = array<i32>} : memref<4096x128xf32, #tpu.memory_space<vmem>>, vector<4096x64xf32>,
    %get3A_4 = arith.constant 0 : index
    %get3A_5 = arith.constant 0 : index
    %get3A_6 = vector.load %arg2[%get3A_4, %get3A_5] : memref<64x4096xf32, #tpu.memory_space<vmem>>, vector<64x4096xf32>
    %transpose3A_7 = tpu.transpose %get3A_6, [1, 0] : vector<64x4096xf32> -> vector<4096x64xf32>
    %swap3A_8 = arith.constant 0 : index
    %swap3A_9 = arith.constant 64 : index
    %swap3A_10 = vector.load %arg3[%swap3A_8, %swap3A_9] : memref<4096x128xf32, #tpu.memory_space<vmem>>, vector<4096x64xf32>
    tpu.vector_store %arg3[%swap3A_8, %swap3A_9], %transpose3A_7 {strides = array<i32>} : memref<4096x128xf32, #tpu.memory_space<vmem>>, vector<4096x64xf32>,
    return
  }
  func.func @transform_0(%arg0: i32) -> (i32, i32) {
    %mul3A = arith.constant 2 : i32
    %mul3A_0 = arith.muli %mul3A, %arg0 : i32
    %c0_i32 = arith.constant 0 : i32
    %c0_i32_1 = arith.constant 0 : i32
    return %c0_i32, %mul3A_0 : i32, i32
  }
  func.func @transform_1(%arg0: i32) -> (i32, i32) {
    %mul3A = arith.constant 2 : i32
    %mul3A_0 = arith.muli %mul3A, %arg0 : i32
    %add3A = arith.constant 1 : i32
    %add3A_1 = arith.addi %mul3A_0, %add3A : i32
    %min3A = arith.constant 243 : i32
    %min3A_2 = arith.minsi %add3A_1, %min3A : i32
    %c0_i32 = arith.constant 0 : i32
    %c0_i32_3 = arith.constant 0 : i32
    return %c0_i32, %min3A_2 : i32, i32
  }
  func.func @transform_2(%arg0: i32) -> (i32, i32) {
    %c0_i32 = arith.constant 0 : i32
    %c0_i32_0 = arith.constant 0 : i32
    return %arg0, %c0_i32 : i32, i32
  }
}

module attributes {stable_mosaic.version = 14 : i64} {
  func.func @_mm_body(%arg0: i32, %arg1: memref<512x64xf32, #tpu.memory_space<vmem>>, %arg2: memref<64x128xf32, #tpu.memory_space<vmem>>, %arg3: memref<1x128xf32, #tpu.memory_space<vmem>>, %arg4: memref<512x128xf32, #tpu.memory_space<vmem>>) attributes {dimension_semantics = [#tpu.dimension_semantics<arbitrary>], iteration_bounds = array<i64: 8>, scalar_prefetch = 0 : i64, scratch_operands = 0 : i64, tpu.core_type = #tpu.core_type<tc>, window_params = [{transform_indices = @transform_0, window_bounds = array<i64: 512, 64>}, {pipeline_mode = #tpu.pipeline_mode<synchronous>, transform_indices = @transform_1, window_bounds = array<i64: 64, 128>}, {pipeline_mode = #tpu.pipeline_mode<synchronous>, transform_indices = @transform_2, window_bounds = array<i64: 1, 128>}, {transform_indices = @transform_3, window_bounds = array<i64: 512, 128>}]} {
    %get3A = arith.constant 0 : index
    %get3A_0 = arith.constant 0 : index
    %get3A_1 = vector.load %arg1[%get3A, %get3A_0] : memref<512x64xf32, #tpu.memory_space<vmem>>, vector<512x64xf32>
    %get3A_2 = arith.constant 0 : index
    %get3A_3 = arith.constant 0 : index
    %get3A_4 = vector.load %arg2[%get3A_2, %get3A_3] : memref<64x128xf32, #tpu.memory_space<vmem>>, vector<64x128xf32>
    %dot_general3A = arith.constant dense<0.000000e+00> : vector<512x128xf32>
    %dot_general3A_5 = tpu.matmul %get3A_1, %get3A_4, %dot_general3A {dimension_numbers = #tpu.dot_dimension_numbers<[1], [0], [0], [1], [0, 0, 1, 1], [], []>, transpose_lhs_hint = false} : vector<512x64xf32>, vector<64x128xf32>, vector<512x128xf32> -> vector<512x128xf32>
    %get3A_6 = arith.constant 0 : index
    %get3A_7 = arith.constant 0 : index
    %get3A_8 = vector.load %arg3[%get3A_6, %get3A_7] : memref<1x128xf32, #tpu.memory_space<vmem>>, vector<1x128xf32>
    %add3A = vector.broadcast %get3A_8 : vector<1x128xf32> to vector<512x128xf32>
    %add3A_9 = arith.addf %dot_general3A_5, %add3A : vector<512x128xf32>
    %swap3A = arith.constant 0 : index
    %swap3A_10 = arith.constant 0 : index
    %swap3A_11 = vector.load %arg4[%swap3A, %swap3A_10] : memref<512x128xf32, #tpu.memory_space<vmem>>, vector<512x128xf32>
    tpu.vector_store %arg4[%swap3A, %swap3A_10], %add3A_9 {strides = array<i32>} : memref<512x128xf32, #tpu.memory_space<vmem>>, vector<512x128xf32>,
    return
  }
  func.func @transform_0(%arg0: i32) -> (i32, i32) {
    %c0_i32 = arith.constant 0 : i32
    %c0_i32_0 = arith.constant 0 : i32
    return %arg0, %c0_i32 : i32, i32
  }
  func.func @transform_1(%arg0: i32) -> (i32, i32) {
    %c0_i32 = arith.constant 0 : i32
    %c0_i32_0 = arith.constant 0 : i32
    %c0_i32_1 = arith.constant 0 : i32
    return %c0_i32, %c0_i32_0 : i32, i32
  }
  func.func @transform_2(%arg0: i32) -> (i32, i32) {
    %c0_i32 = arith.constant 0 : i32
    %c0_i32_0 = arith.constant 0 : i32
    %c0_i32_1 = arith.constant 0 : i32
    return %c0_i32, %c0_i32_0 : i32, i32
  }
  func.func @transform_3(%arg0: i32) -> (i32, i32) {
    %c0_i32 = arith.constant 0 : i32
    %c0_i32_0 = arith.constant 0 : i32
    return %arg0, %c0_i32 : i32, i32
  }
}

</mosaic_0001>

<sc_bundles>
// kernel: kernel.5.cloned.1.call-start
scs
__scs_entry_jumppad:
0x0: {  	(pc) =	sbr.rel $0x88, $3  }
0x1: {  	(tag) =	ssettag $0x0;
	lr =	simm.s32 $0x1  }
0x2: {  	[smem:$0x3F9D] =	sst lr;
	_ =	strace $0xD0000000  }
0x3: {  	_ = 	snop  }
0x4: {  	_ = 	snop  }
0x5: {  	_ = 	snop  }
0x6: {  	_ = 	snop  }
0x7: {  	_ = 	snop  }
__scs_overlays_trampoline_lowered:
0x8: {  	[smem:$0x3FAC] =	sst s0  }
0x9: {  	[smem:$0x3FAD] =	sst s1  }
0xa: {  	[smem:$0x3FAE] =	sst s2  }
0xb: {  	[smem:$0x3FAF] =	sst s3  }
0xc: {  	[smem:$0x3FB0] =	sst s4  }
0xd: {  	[smem:$0x3FB1] =	sst s5  }
0xe: {  	[smem:$0x3FB2] =	sst s6  }
0xf: {  	[smem:$0x3FB3] =	sst s7  }
0x10: {  	[smem:$0x3FB4] =	sst s8  }
0x11: {  	[smem:$0x3FB5] =	sst s9;
	s0 =	simm.s32 @!p0 $0x0  }
0x12: {  	s1 =	sld [smem:$0x3F9B];
	s0 =	simm.s32 @p0 $0x1  }
0x13: {  	[smem:$0x3FB6] =	sst s0;
	s0 =	simm.s32 @!p1 $0x0  }
0x14: {  	s2 =	sld [smem:$0x3F9A];
	s0 =	simm.s32 @p1 $0x1  }
0x15: {  	[smem:$0x3FB7] =	sst s0;
	s0 =	simm.s32 @!p2 $0x0  }
0x16: {  	s3 =	sld [smem:$0x3FDB];
	s0 =	simm.s32 @p2 $0x1  }
0x17: {  	s4 =	simm.s32 $0x1BF5;
	[smem:$0x3FB9] =	sst s0  }
0x18: {  	s0 =	sld [smem:$0x3F9C];
	_ =	swait.ge [sflag:s4], $0x0  }
0x19: {  	s7 =	sld [smem:$0x3F9D]  }
0x1a: {  	s8 =	sadd.s32 $0xFFFFE003, lr  }
0x1b: {  	s9 =	sadd.s32 $0xFFFFFEF7, lr;
	s5 =	simm.s32 $0xFFFFFFFF;
	p2 =	slt.u32 s8, $0xFFFFF086  }
0x1c: {  	p1 =	slt.u32 s9, $0xF7A;
	s5 =	simm.s32 @!p2 $0x0  }
0x1d: {  	s5 =	simm.s32 @p1 $0x1;
	p0 =	seq.s32 s7, s2  }
0x1e: {  	s7 =	smul.u32 @!p0 $0xF7A, s2;
	p2 =	seq.s32 @!p0 s5, $0x0  }
0x1f: {  	s9 =	smul.u32 $0xF7A, s1;
	s8 =	simm.s32 @!p0 $0x1BF5;
	p2 =	por !p2, p0  }
0x20: {  	[sflag:s8] =	ssyncset.s32 @!p0 $0xFFFFF086;
	s6 =	sadd.s32 @!p0 s3, s7;
	s7 =	simm.s32 @!p0 $0x108  }
0x21: {  	s3 =	sadd.s32 s3, s9;
	s6 =	sadd.s32 @!p0 $0x88, s6;
	s7 =	simm.s32 @p2 $0x1082  }
0x22: {  	[simem:s7], [sflag:s8] =	dma.local @!p0 [hbm:s6], $0xF7A  }
0x23: {  	s9 =	sor.u32 $0xD0000000, s2;
	s6 =	simm.s32 $0x108;
	_ =	swait.ge @!p0 [sflag:s8], $0x0  }
0x24: {  	s3 =	sadd.s32 $0x88, s3;
	s6 =	simm.s32 @!p1 $0x1082;
	[sflag:s4] =	ssyncset.s32 $0xFFFFF086  }
0x25: {  	[simem:s6], [sflag:s4] =	dma.local [hbm:s3], $0xF7A  }
0x26: {  	[smem:$0x3F9D] =	sst s1;
	(tag) =	ssettag s2;
	_ =	strace s9  }
0x27: {  	s1 =	sld [smem:$0x3FAD]  }
0x28: {  	s2 =	sld [smem:$0x3FAE]  }
0x29: {  	s4 =	sld [smem:$0x3FB0]  }
0x2a: {  	p0 =	seq.s32 s5, $0x0;
	s5 =	sld [smem:$0x3FB1]  }
0x2b: {  	s6 =	sld [smem:$0x3FB2]  }
0x2c: {  	s7 =	sld [smem:$0x3FB3]  }
0x2d: {  	s3 =	simm.s32 $0x108;
	s8 =	sld [smem:$0x3FB4]  }
0x2e: {  	s3 =	simm.s32 @!p0 $0x1082;
	s9 =	sld [smem:$0x3FB5]  }
0x2f: {  	lr =	sadd.s32 s0, s3;
	s0 =	sld [smem:$0x3FAC]  }
0x30: {  	s3 =	sld [smem:$0x3FAF]  }
0x31: {  	[smem:$0x3FB8] =	sst s10  }
0x32: {  	s10 =	sld [smem:$0x3FB6];
	_ =	sdelay $0x3  }
0x33: {  	p0 =	seq.s32 s10, $0x1;
	s10 =	sld [smem:$0x3FB8];
	_ =	sdelay $0x3  }
0x34: {  	[smem:$0x3FB8] =	sst s10  }
0x35: {  	s10 =	sld [smem:$0x3FB7];
	_ =	sdelay $0x3  }
0x36: {  	p1 =	seq.s32 s10, $0x1;
	s10 =	sld [smem:$0x3FB8];
	_ =	sdelay $0x3  }
0x37: {  	[smem:$0x3FB8] =	sst s10  }
0x38: {  	s10 =	sld [smem:$0x3FB9]  }
0x39: {  	_ = 	snop;
	(pc) =	sbr.ind lr, $3  }
0x3a: {  	_ = 	snop  }
0x3b: {  	_ = 	snop  }
0x3c: {  	p2 =	seq.s32 s10, $0x1;
	s10 =	sld [smem:$0x3FB8]  }
0x3d: {  	_ =	shalt  }
0x3e: {  	_ =	shalt  }
0x3f: {  	_ =	shalt  }
0x40: {  	_ =	shalt  }
0x41: {  	_ =	shalt  }
0x42: {  	_ =	shalt  }
0x43: {  	_ =	shalt  }
0x44: {  	_ =	shalt  }
0x45: {  	_ =	shalt  }
0x46: {  	_ =	shalt  }
0x47: {  	_ =	shalt  }
0x48: {  	_ =	shalt  }
0x49: {  	_ =	shalt  }
0x4a: {  	_ =	shalt  }
0x4b: {  	_ =	shalt  }
0x4c: {  	_ =	shalt  }
0x4d: {  	_ =	shalt  }
0x4e: {  	_ =	shalt  }
0x4f: {  	_ =	shalt  }
0x50: {  	_ =	shalt  }
0x51: {  	_ =	shalt  }
0x52: {  	_ =	shalt  }
0x53: {  	_ =	shalt  }
0x54: {  	_ =	shalt  }
0x55: {  	_ =	shalt  }
0x56: {  	_ =	shalt  }
0x57: {  	_ =	shalt  }
0x58: {  	_ =	shalt  }
0x59: {  	_ =	shalt  }
0x5a: {  	_ =	shalt  }
0x5b: {  	_ =	shalt  }
0x5c: {  	_ =	shalt  }
0x5d: {  	_ =	shalt  }
0x5e: {  	_ =	shalt  }
0x5f: {  	_ =	shalt  }
0x60: {  	_ =	shalt  }
0x61: {  	_ =	shalt  }
0x62: {  	_ =	shalt  }
0x63: {  	_ =	shalt  }
0x64: {  	_ =	shalt  }
0x65: {  	_ =	shalt  }
0x66: {  	_ =	shalt  }
0x67: {  	_ =	shalt  }
0x68: {  	_ =	shalt  }
0x69: {  	_ =	shalt  }
0x6a: {  	_ =	shalt  }
0x6b: {  	_ =	shalt  }
0x6c: {  	_ =	shalt  }
0x6d: {  	_ =	shalt  }
0x6e: {  	_ =	shalt  }
0x6f: {  	_ =	shalt  }
0x70: {  	_ =	shalt  }
0x71: {  	_ =	shalt  }
0x72: {  	_ =	shalt  }
0x73: {  	_ =	shalt  }
0x74: {  	_ =	shalt  }
0x75: {  	_ =	shalt  }
0x76: {  	_ =	shalt  }
0x77: {  	_ =	shalt  }
0x78: {  	_ =	shalt  }
0x79: {  	_ =	shalt  }
0x7a: {  	_ =	shalt  }
0x7b: {  	_ =	shalt  }
0x7c: {  	_ =	shalt  }
0x7d: {  	_ =	shalt  }
0x7e: {  	_ =	shalt  }
0x7f: {  	_ =	shalt  }
0x80: {  	_ =	shalt  }
0x81: {  	_ =	shalt  }
0x82: {  	_ =	shalt  }
0x83: {  	_ =	shalt  }
0x84: {  	_ =	shalt  }
0x85: {  	_ =	shalt  }
0x86: {  	_ =	shalt  }
0x87: {  	_ =	shalt  }
.Lfunc_end0:
.L_simem_size_0:
called_computation_lowered:
.L_overlay_start_0:
0x88: {  	s2 =	sld [smem:$0x3FD9]  }
0x89: {  	s3 =	sld [smem:$0x3FFE];
	_ =	sdelay $0x1  }
0x8a: {  	s1 =	srdreg.scid  }
0x8b: {  	s0 =	sand.u32 $0x1, s1  }
0x8c: {  	s17 =	sshll.u32 s0, $0xA;
	s2 =	sadd.s32 s3, s2  }
0x8d: {  	s2 =	sadd.s32 s2, s17  }
0x8e: {  	[smem:$0x3FC4] =	sst s2  }
0x8f: {  	_ = 	snop  }
0x90: {  	s2 =	sld [smem:$0x3FD0];
	(tm) =	ssettm $0x1  }
0x91: {  	s18 =	sld [smem:$0x3FFB];
	_ =	sdelay $0x3  }
0x92: {  	_ =	strace s18  }
0x93: {  	s3 =	sld [smem:$0x3FFC];
	_ =	sdelay $0x3  }
0x94: {  	_ =	strace s3  }
0x95: {  	s3 =	sld [smem:$0x3FFD];
	_ =	sdelay $0x3  }
0x96: {  	_ =	strace s3  }
0x97: {  	_ =	strace $0x8FFFFFFF  }
0x98: {  	s19 =	sld [smem:$0x3FDB];
	_ =	sdelay $0x1  }
0x99: {  	s4 =	simm.s32 $_scs_section_size  }
0x9a: {  	s5 =	simm.s32 $_size__tile_overlayer_lowered;
	s6 =	simm.s32 $_tile_overlayer_lowered  }
0x9b: {  	s22 =	simm.s32 $0x1BFF;
	s21 =	sshll.u32 s6, $0x1;
	s3 =	sadd.s32 s4, s19  }
0x9c: {  	s7 =	simm.s32 $0x0;
	s20 =	sshll.u32 s5, $0x1;
	s5 =	sadd.s32 s21, s3  }
0x9d: {  	[timem:s7], [sflag:s22] =	dma.local [hbm:s5], s20  }
0x9e: {  	_ =	swait.ge [sflag:s22], s20  }
0x9f: {  	s4 =	ssub.s32 $0x0, s20;
	[sflag:s22] =	ssyncset.done $0x0  }
0xa0: {  	[sflag:s22] =	ssyncadd.s32 s4;
	_ =	sdelay $0x1  }
0xa1: {  	s23 =	simm.s32 $0x1B8B  }
0xa2: {  	_ =	swait.ge [sflag:s23], $0x1  }
0xa3: {  	[sflag:s23] =	ssyncset.done $0x0  }
0xa4: {  	s25 =	simm.s32 $0x1B8E;
	s24 =	sld [smem:$0x3FFE];
	[sflag:s23] =	ssyncadd.s32 $0xFFFFFFFF  }
0xa5: {  	s26 =	simm.s32 $execute0_lowered;
	[smem:$0x3FD2] =	sst s25  }
0xa6: {  	s5 =	sshll.u32 s26, $0x1;
	_ =	strace $0x80000046;
	[dreg:$0x1] =	wrdreg $0xFFFFFFFF  }
0xa7: {  	s28 =	simm.s32 $_size_execute0_lowered;
	s3 =	sadd.s32 s3, s5;
	[dreg:$0x0] =	wrdreg $0x0  }
0xa8: {  	s5 =	sshll.u32 s28, $0x1;
	[dreg:$0x2] =	wrdreg s3  }
0xa9: {  	[dreg:$0x3] =	wrdreg s5  }
0xaa: {  	[dreg:$0x4] =	wrdreg $0xC0  }
0xab: {  	_ =	task [dreg:s7], $0x5FFFF  }
0xac: {  	[dreg:$0x1] =	wrdreg $0xFFFFFFFF  }
0xad: {  	[dreg:$0x0] =	wrdreg $0x60  }
0xae: {  	[dreg:$0x2] =	wrdreg s24  }
0xaf: {  	[dreg:$0x3] =	wrdreg s2  }
0xb0: {  	[dreg:$0x4] =	wrdreg $0x9  }
0xb1: {  	_ =	task.clear_ibuf [dreg:s7], $0x5FFFF;
	_ =	strace $0x90000046  }
0xb2: {  	s29 =	simm.s32 $0x9;
	_ =	strace $0x80000048  }
0xb3: {  	_ =	swait.ge [sflag:s29], $0x1  }
0xb4: {  	[sflag:s29] =	ssyncadd.s32 $0xFFFFFFFF  }
0xb5: {  	_ =	strace $0x90000048  }
0xb6: {  	_ =	sfence  }
0xb7: {  	s30 =	sld [smem:$0x0];
	_ =	sdelay $0x2  }
0xb8: {  	s31 =	sshll.u32 s1, $0xD;
	s1 =	sshrl.u32 s1, $0x2  }
0xb9: {  	s3 =	sand.u32 $0x4000, s31;
	s1 =	sadd.s32 s1, s30  }
0xba: {  	s0 =	sor.u32 s3, s0;
	s1 =	sshll.u32 s1, $0x11  }
0xbb: {  	s0 =	sor.u32 s1, s0  }
0xbc: {  	s0 =	sadd.s32 $0x8F2B, s0  }
0xbd: {  	[sflag:s0] =	ssyncadd.remote.s32 $0x1  }
0xbe: {  	_ =	sfence.sel $0xFFFF  }
0xbf: {  	[dreg:$0x0] =	wrdreg $0xFFFFFFFF;
	(pc) =	sbr.abs _section_cstart, $3  }
0xc0: {  	[dreg:$0x1] =	wrdreg $0xFFFFFFFF  }
0xc1: {  	_ =	task.clear_ibuf [dreg:s7], $0x2FFFF;
	_ =	strace $0x9FFFFFFF  }
0xc2: {  	(tm) =	ssettm $0x7FFFFFFF  }
0xc3: {  	_ =	shalt  }
tec
execute0_lowered:
.L_overlay_start_1:
0x0: {  	(tag) =	ssettag $0x1  }
0x1: {  	s1 =	srdreg.scid;
	s3 =	rddreg [dreg:$0x0]  }
0x2: {  	s0 =	stileid.u32;
	s5 =	rddreg [dreg:$0x1];
	s2 =	simm.s32 $0x0  }
0x3: {  	s9 =	simm.s32 $0x6400;
	s10 =	simm.s32 $0x8400;
	s11 =	simm.s32 $0x100  }
0x4: {  	s12 =	simm.s32 $0xA400;
	s13 =	simm.s32 $0x10;
	s14 =	simm.s32 $0x180  }
0x5: {  	s15 =	simm.s32 $0xC400;
	s16 =	simm.s32 $0xC800;
	s17 =	simm.s32 $0xE800  }
0x6: {  	s18 =	simm.s32 $0x10800;
	s19 =	simm.s32 $0x12800;
	s20 =	simm.s32 $0x1  }
0x7: {  	s21 =	simm.s32 $0x2;
	s22 =	simm.s32 $0x12C00;
	s23 =	simm.s32 $0x0  }
0x8: {  	s4 =	sand.u32 $0x1, s1;
	s31 =	sshll.u32 s0, $0x1;
	s1 =	rddreg [dreg:$0x2]  }
0x9: {  	[smem:$0x7FF] =	sst s2;
	s6 =	sor.u32 s4, s31;
	s4 =	ssub.s32 $0x2, s4  }
0xa: {  	s7 =	smul.u32 $0xC80, s6;
	s8 =	sshrl.u32 s4, $0x1;
	s6 =	sshll.u32 s6, $0xA  }
0xb: {  	_ =	strace $0x80000047;
	s8 =	ssub.s32 s4, s8;
	s5 =	sadd.s32 s5, s6  }
0xc: {  	s7 =	sadd.s32 s7, s3;
	s3 =	sadd.s32 $0x19800, s3;
	s6 =	smax.u32 s8, $0x1  }
0xd: {  	s8 =	simm.s32 $0x80;
	s4 =	sadd.s32 $0x800, s7;
	s7 =	simm.s32 $0x3  }
.LBB2_1:
0xe: {  	[tilespmem:s2], [sflag:$0x3] =	stream.linear.gather [hbm4b:s4+s2], $0x6400, $0x38;
	[tilespmem:$0x14C00] =	vst v63  }
0xf: {  	_ =	swait.ge [sflag:s7], $0x6400  }
0x10: {  	[sflag:s7] =	ssyncset.done $0x0  }
0x11: {  	[sflag:s7] =	ssyncadd.s32 $0xFFFF9C00  }
0x12: {  	[tilespmem:s9], [sflag:$0x1] =	stream.indirect.gather [hbm4b:s3+s8], $0x40, s2, s8, $0xb8;
	[tilespmem:$0x14C00] =	vst v63  }
0x13: {  	_ = 	snop  }
0x14: {  	[tilespmem:s10], [sflag:$0x1] =	stream.indirect.gather [hbm4b:s3+s8], $0x40, s8, s8, $0xb8;
	[tilespmem:$0x14C00] =	vst v63  }
0x15: {  	_ = 	snop  }
0x16: {  	[tilespmem:s12], [sflag:$0x1] =	stream.indirect.gather [hbm4b:s3+s8], $0x40, s11, s8, $0xb8;
	[tilespmem:$0x14C00] =	vst v63  }
0x17: {  	s24 =	simm.s32 $0x0  }
0x18: {  	[tilespmem:s15], [sflag:$0x1] =	stream.indirect.gather [hbm4b:s3+s13], $0x40, s14, s13, $0xb8;
	[tilespmem:$0x14C00] =	vst v63  }
.LBB2_2:
0x19: {  	s25 =	sshllo.u32 s24, $0x1  }
0x1a: {  	s26 =	smul.u32 $0x640, s25;
	_ =	sdelay $0x1  }
0x1b: {  	s26 =	sshra.s32 s26, $0x2  }
0x1c: {  	[tilespmem:s16], [sflag:$0x2] =	stream.indirect.gather [hbm4b:s3+s8], $0x40, s26, s8, $0xb8;
	[tilespmem:$0x14C00] =	vst v63  }
0x1d: {  	s28 =	sadd.s32 $0x80, s26  }
0x1e: {  	[tilespmem:s17], [sflag:$0x2] =	stream.indirect.gather [hbm4b:s3+s8], $0x40, s28, s8, $0xb8;
	[tilespmem:$0x14C00] =	vst v63  }
0x1f: {  	s28 =	sadd.s32 $0x100, s26  }
0x20: {  	[tilespmem:s18], [sflag:$0x2] =	stream.indirect.gather [hbm4b:s3+s8], $0x40, s28, s8, $0xb8;
	[tilespmem:$0x14C00] =	vst v63  }
0x21: {  	s26 =	sadd.s32 $0x180, s26  }
0x22: {  	[tilespmem:s19], [sflag:$0x2] =	stream.indirect.gather [hbm4b:s3+s13], $0x40, s26, s13, $0xb8;
	[tilespmem:$0x14C00] =	vst v63  }
0x23: {  	_ =	swait.ge [sflag:s20], $0x2000  }
0x24: {  	[sflag:s20] =	ssyncset.done $0x0  }
0x25: {  	[sflag:s20] =	ssyncadd.s32 $0xFFFFE000  }
0x26: {  	_ =	swait.ge [sflag:s20], $0x2000  }
0x27: {  	[sflag:s20] =	ssyncset.done $0x0  }
0x28: {  	[sflag:s20] =	ssyncadd.s32 $0xFFFFE000  }
0x29: {  	_ =	swait.ge [sflag:s20], $0x2000  }
0x2a: {  	[sflag:s20] =	ssyncset.done $0x0  }
0x2b: {  	[sflag:s20] =	ssyncadd.s32 $0xFFFFE000  }
0x2c: {  	_ =	swait.ge [sflag:s20], $0x400  }
0x2d: {  	[sflag:s20] =	ssyncset.done $0x0  }
0x2e: {  	s28 =	simm.s32 $0x0;
	[sflag:s20] =	ssyncadd.s32 $0xFFFFFC00  }
0x2f: {  	v0 =	vld [tilespmem:s28+$0x64C0]  }
0x30: {  	v1 =	vld [tilespmem:s28+$0x64D0]  }
0x31: {  	v2 =	vld [tilespmem:s28+$0x6480]  }
0x32: {  	v3 =	vld [tilespmem:s28+$0x6490]  }
0x33: {  	v4 =	vld [tilespmem:s28+$0x6440]  }
0x34: {  	v5 =	vld [tilespmem:s28+$0x6450]  }
0x35: {  	v10 =	vld [tilespmem:s28+$0x6400]  }
0x36: {  	v6 =	vimm.f32 $0.0e+00;
	v12 =	vld [tilespmem:s28+$0x6410]  }
0x37: {  	s29 =	simm.s32 $0x400;
	v9 =	vimm.f32 $0.0e+00;
	v8 =	vimm.f32 $0.0e+00;
	v7 =	vimm.f32 $0.0e+00;
	s26 =	sshll.u32 s24, $0x1;
	v11 =	vld [tilespmem:s28+$0x6420]  }
.LBB2_3:
0x38: {  	p0 =	sne.s32 s29, $0xC400;
	v13 =	vld [tilespmem:s28+$0x6430]  }
0x39: {  	v14 =	vld [tilespmem:s28+$0x6460]  }
0x3a: {  	v15 =	vld [tilespmem:s28+$0x6470]  }
0x3b: {  	v16 =	vld [tilespmem:s28+$0x64A0]  }
0x3c: {  	v6 =	vadd.f32 v10, v6;
	v9 =	vadd.f32 v12, v9;
	v10 =	vld [tilespmem:s28+$0x64B0]  }
0x3d: {  	v8 =	vadd.f32 v11, v8;
	v7 =	vadd.f32 v13, v7;
	v11 =	vld [tilespmem:s28+$0x64E0]  }
0x3e: {  	v4 =	vadd.f32 v4, v6;
	v5 =	vadd.f32 v5, v9;
	v12 =	vld [tilespmem:s28+$0x64F0];
	s28 =	sshra.s32 s29, $0x2  }
0x3f: {  	v6 =	vadd.f32 v14, v8;
	v13 =	vld [tilespmem:s28+$0x64C0];
	v7 =	vadd.f32 v15, v7  }
0x40: {  	v4 =	vadd.f32 v2, v4;
	v5 =	vadd.f32 v3, v5;
	v14 =	vld [tilespmem:s28+$0x64D0]  }
0x41: {  	v8 =	vadd.f32 v16, v6;
	v2 =	vld [tilespmem:s28+$0x6480];
	v7 =	vadd.f32 v10, v7  }
0x42: {  	v6 =	vadd.f32 v0, v4;
	v9 =	vadd.f32 v1, v5;
	v3 =	vld [tilespmem:s28+$0x6490]  }
.Ltmp0:
0x43: {  	v8 =	vadd.f32 v11, v8;
	v4 =	vld [tilespmem:s28+$0x6440];
	v7 =	vadd.f32 v12, v7;
	(pc) =	sbr.rel @p0 .LBB2_3-.Ltmp0, $4  }
0x44: {  	v5 =	vld [tilespmem:s28+$0x6450];
	v0 =	vmov v13  }
0x45: {  	v10 =	vld [tilespmem:s28+$0x6400];
	v1 =	vmov v14  }
0x46: {  	v12 =	vld [tilespmem:s28+$0x6410]  }
0x47: {  	s29 =	sadd.s32 $0x400, s29;
	v11 =	vld [tilespmem:s28+$0x6420]  }
0x48: {  	v13 =	vld [tilespmem:s28+$0x6430]  }
0x49: {  	v14 =	vld [tilespmem:s28+$0x6460]  }
0x4a: {  	v15 =	vld [tilespmem:s28+$0x6470];
	v6 =	vadd.f32 v10, v6  }
0x4b: {  	v10 =	vld [tilespmem:s28+$0x64A0];
	v9 =	vadd.f32 v12, v9  }
0x4c: {  	v12 =	vld [tilespmem:s28+$0x64B0];
	v8 =	vadd.f32 v11, v8;
	v4 =	vadd.f32 v4, v6  }
0x4d: {  	v6 =	vadd.f32 v13, v7;
	v7 =	vld [tilespmem:s28+$0x64E0];
	v5 =	vadd.f32 v5, v9  }
0x4e: {  	v9 =	vld [tilespmem:s28+$0x64F0];
	v8 =	vadd.f32 v14, v8;
	v2 =	vadd.f32 v2, v4  }
0x4f: {  	v4 =	vadd.f32 v15, v6;
	v3 =	vadd.f32 v3, v5  }
0x50: {  	v5 =	vadd.f32 v10, v8;
	v0 =	vadd.f32 v0, v2  }
0x51: {  	v2 =	vadd.f32 v12, v4;
	v1 =	vadd.f32 v1, v3  }
0x52: {  	s28 =	sshll.u32 s24, $0x8;
	v3 =	vadd.f32 v7, v5;
	v0 =	vmul.f32 $4.999999890e-03, v0  }
0x53: {  	s28 =	sand.u32 $0x3FFFFF00, s28;
	v2 =	vadd.f32 v9, v2;
	v1 =	vmul.f32 $4.999999890e-03, v1  }
0x54: {  	[tilespmem:s28+$0x12C00] =	vst v0;
	v0 =	vmul.f32 $4.999999890e-03, v3  }
0x55: {  	[tilespmem:s28+$0x12C10] =	vst v1;
	v1 =	vmul.f32 $4.999999890e-03, v2  }
0x56: {  	[tilespmem:s28+$0x12C20] =	vst v0  }
0x57: {  	s29 =	simm.s32 $0x0;
	[tilespmem:s28+$0x12C30] =	vst v1  }
0x58: {  	v0 =	vld [tilespmem:s29+$0x96C0]  }
0x59: {  	v1 =	vld [tilespmem:s29+$0x96D0]  }
0x5a: {  	v2 =	vld [tilespmem:s29+$0x9680]  }
0x5b: {  	v3 =	vld [tilespmem:s29+$0x9690]  }
0x5c: {  	v4 =	vld [tilespmem:s29+$0x9640]  }
0x5d: {  	v5 =	vld [tilespmem:s29+$0x9650]  }
0x5e: {  	v10 =	vld [tilespmem:s29+$0x9600]  }
0x5f: {  	v6 =	vimm.f32 $0.0e+00;
	v12 =	vld [tilespmem:s29+$0x9610]  }
0x60: {  	s30 =	simm.s32 $0x400;
	v8 =	vimm.f32 $0.0e+00;
	v7 =	vimm.f32 $0.0e+00;
	v9 =	vimm.f32 $0.0e+00;
	v11 =	vld [tilespmem:s29+$0x9620]  }
.LBB2_5:
0x61: {  	p0 =	sne.s32 s30, $0xC400;
	v13 =	vld [tilespmem:s29+$0x9630]  }
0x62: {  	v14 =	vld [tilespmem:s29+$0x9660]  }
0x63: {  	v15 =	vld [tilespmem:s29+$0x9670]  }
0x64: {  	v16 =	vld [tilespmem:s29+$0x96A0]  }
0x65: {  	v6 =	vadd.f32 v10, v6;
	v9 =	vadd.f32 v12, v9;
	v10 =	vld [tilespmem:s29+$0x96B0]  }
0x66: {  	v8 =	vadd.f32 v11, v8;
	v7 =	vadd.f32 v13, v7;
	v11 =	vld [tilespmem:s29+$0x96E0]  }
0x67: {  	v4 =	vadd.f32 v4, v6;
	v5 =	vadd.f32 v5, v9;
	v12 =	vld [tilespmem:s29+$0x96F0];
	s29 =	sshra.s32 s30, $0x2  }
0x68: {  	v6 =	vadd.f32 v14, v8;
	v13 =	vld [tilespmem:s29+$0x96C0];
	v7 =	vadd.f32 v15, v7  }
0x69: {  	v4 =	vadd.f32 v2, v4;
	v5 =	vadd.f32 v3, v5;
	v14 =	vld [tilespmem:s29+$0x96D0]  }
0x6a: {  	v8 =	vadd.f32 v16, v6;
	v2 =	vld [tilespmem:s29+$0x9680];
	v7 =	vadd.f32 v10, v7  }
0x6b: {  	v6 =	vadd.f32 v0, v4;
	v9 =	vadd.f32 v1, v5;
	v3 =	vld [tilespmem:s29+$0x9690]  }
.Ltmp1:
0x6c: {  	v8 =	vadd.f32 v11, v8;
	v4 =	vld [tilespmem:s29+$0x9640];
	v7 =	vadd.f32 v12, v7;
	(pc) =	sbr.rel @p0 .LBB2_5-.Ltmp1, $4  }
0x6d: {  	v5 =	vld [tilespmem:s29+$0x9650];
	v0 =	vmov v13  }
0x6e: {  	v10 =	vld [tilespmem:s29+$0x9600];
	v1 =	vmov v14  }
0x6f: {  	v12 =	vld [tilespmem:s29+$0x9610]  }
0x70: {  	s30 =	sadd.s32 $0x400, s30;
	v11 =	vld [tilespmem:s29+$0x9620]  }
0x71: {  	v13 =	vld [tilespmem:s29+$0x9630]  }
0x72: {  	v14 =	vld [tilespmem:s29+$0x9660]  }
0x73: {  	v15 =	vld [tilespmem:s29+$0x9670];
	v6 =	vadd.f32 v10, v6  }
0x74: {  	v10 =	vld [tilespmem:s29+$0x96A0];
	v9 =	vadd.f32 v12, v9  }
0x75: {  	v12 =	vld [tilespmem:s29+$0x96B0];
	v8 =	vadd.f32 v11, v8;
	v4 =	vadd.f32 v4, v6  }
0x76: {  	v6 =	vadd.f32 v13, v7;
	v7 =	vld [tilespmem:s29+$0x96E0];
	v5 =	vadd.f32 v5, v9  }
0x77: {  	v9 =	vld [tilespmem:s29+$0x96F0];
	v8 =	vadd.f32 v14, v8;
	v2 =	vadd.f32 v2, v4  }
0x78: {  	v4 =	vadd.f32 v15, v6;
	v3 =	vadd.f32 v3, v5  }
0x79: {  	v5 =	vadd.f32 v10, v8;
	v0 =	vadd.f32 v0, v2  }
0x7a: {  	v2 =	vadd.f32 v12, v4;
	v1 =	vadd.f32 v1, v3  }
0x7b: {  	v3 =	vadd.f32 v7, v5;
	v0 =	vmul.f32 $4.999999890e-03, v0  }
0x7c: {  	s26 =	smin.u32 s26, $0x3C;
	v2 =	vadd.f32 v9, v2;
	v1 =	vmul.f32 $4.999999890e-03, v1  }
0x7d: {  	s26 =	smul.u32 $0x640, s26;
	[tilespmem:s28+$0x12C40] =	vst v0;
	v0 =	vmul.f32 $4.999999890e-03, v3  }
0x7e: {  	[tilespmem:s28+$0x12C50] =	vst v1;
	v1 =	vmul.f32 $4.999999890e-03, v2  }
0x7f: {  	s26 =	sshrl.u32 s26, $0x2;
	[tilespmem:s28+$0x12C60] =	vst v0  }
0x80: {  	[tilespmem:s28+$0x12C70] =	vst v1;
	s28 =	sadd.s32 $0x320, s26  }
0x81: {  	[tilespmem:s9], [sflag:$0x1] =	stream.indirect.gather [hbm4b:s3+s8], $0x40, s28, s8, $0xb8;
	[tilespmem:$0x14C00] =	vst v63  }
0x82: {  	s28 =	sadd.s32 $0x3A0, s26  }
0x83: {  	[tilespmem:s10], [sflag:$0x1] =	stream.indirect.gather [hbm4b:s3+s8], $0x40, s28, s8, $0xb8;
	[tilespmem:$0x14C00] =	vst v63  }
0x84: {  	s28 =	sadd.s32 $0x420, s26  }
0x85: {  	[tilespmem:s12], [sflag:$0x1] =	stream.indirect.gather [hbm4b:s3+s8], $0x40, s28, s8, $0xb8;
	[tilespmem:$0x14C00] =	vst v63  }
0x86: {  	s26 =	sadd.s32 $0x4A0, s26  }
0x87: {  	[tilespmem:s15], [sflag:$0x1] =	stream.indirect.gather [hbm4b:s3+s13], $0x40, s26, s13, $0xb8;
	[tilespmem:$0x14C00] =	vst v63  }
0x88: {  	_ =	swait.ge [sflag:s21], $0x2000  }
0x89: {  	[sflag:s21] =	ssyncset.done $0x0  }
0x8a: {  	[sflag:s21] =	ssyncadd.s32 $0xFFFFE000  }
0x8b: {  	_ =	swait.ge [sflag:s21], $0x2000  }
0x8c: {  	[sflag:s21] =	ssyncset.done $0x0  }
0x8d: {  	[sflag:s21] =	ssyncadd.s32 $0xFFFFE000  }
0x8e: {  	_ =	swait.ge [sflag:s21], $0x2000  }
0x8f: {  	[sflag:s21] =	ssyncset.done $0x0  }
0x90: {  	[sflag:s21] =	ssyncadd.s32 $0xFFFFE000  }
0x91: {  	_ =	swait.ge [sflag:s21], $0x400  }
0x92: {  	[sflag:s21] =	ssyncset.done $0x0  }
0x93: {  	s26 =	simm.s32 $0x0;
	[sflag:s21] =	ssyncadd.s32 $0xFFFFFC00  }
0x94: {  	v0 =	vld [tilespmem:s26+$0xC8C0]  }
0x95: {  	v1 =	vld [tilespmem:s26+$0xC8D0]  }
0x96: {  	v2 =	vld [tilespmem:s26+$0xC880]  }
0x97: {  	v3 =	vld [tilespmem:s26+$0xC890]  }
0x98: {  	v4 =	vld [tilespmem:s26+$0xC840]  }
0x99: {  	v5 =	vld [tilespmem:s26+$0xC850]  }
0x9a: {  	v10 =	vld [tilespmem:s26+$0xC800]  }
0x9b: {  	v6 =	vimm.f32 $0.0e+00;
	v12 =	vld [tilespmem:s26+$0xC810]  }
0x9c: {  	v8 =	vimm.f32 $0.0e+00;
	v7 =	vimm.f32 $0.0e+00;
	v9 =	vimm.f32 $0.0e+00;
	s28 =	simm.s32 $0x400;
	v11 =	vld [tilespmem:s26+$0xC820]  }
.LBB2_7:
0x9d: {  	p0 =	sne.s32 s28, $0xC400;
	v13 =	vld [tilespmem:s26+$0xC830]  }
0x9e: {  	v14 =	vld [tilespmem:s26+$0xC860]  }
0x9f: {  	v15 =	vld [tilespmem:s26+$0xC870]  }
0xa0: {  	v16 =	vld [tilespmem:s26+$0xC8A0]  }
0xa1: {  	v6 =	vadd.f32 v10, v6;
	v9 =	vadd.f32 v12, v9;
	v10 =	vld [tilespmem:s26+$0xC8B0]  }
0xa2: {  	v8 =	vadd.f32 v11, v8;
	v7 =	vadd.f32 v13, v7;
	v11 =	vld [tilespmem:s26+$0xC8E0]  }
0xa3: {  	v4 =	vadd.f32 v4, v6;
	v5 =	vadd.f32 v5, v9;
	v12 =	vld [tilespmem:s26+$0xC8F0];
	s26 =	sshra.s32 s28, $0x2  }
0xa4: {  	v6 =	vadd.f32 v14, v8;
	v13 =	vld [tilespmem:s26+$0xC8C0];
	v7 =	vadd.f32 v15, v7  }
0xa5: {  	v4 =	vadd.f32 v2, v4;
	v5 =	vadd.f32 v3, v5;
	v14 =	vld [tilespmem:s26+$0xC8D0]  }
0xa6: {  	v8 =	vadd.f32 v16, v6;
	v2 =	vld [tilespmem:s26+$0xC880];
	v7 =	vadd.f32 v10, v7  }
0xa7: {  	v6 =	vadd.f32 v0, v4;
	v9 =	vadd.f32 v1, v5;
	v3 =	vld [tilespmem:s26+$0xC890]  }
.Ltmp2:
0xa8: {  	v8 =	vadd.f32 v11, v8;
	v4 =	vld [tilespmem:s26+$0xC840];
	v7 =	vadd.f32 v12, v7;
	(pc) =	sbr.rel @p0 .LBB2_7-.Ltmp2, $4  }
0xa9: {  	v5 =	vld [tilespmem:s26+$0xC850];
	v0 =	vmov v13  }
0xaa: {  	v10 =	vld [tilespmem:s26+$0xC800];
	v1 =	vmov v14  }
0xab: {  	v12 =	vld [tilespmem:s26+$0xC810]  }
0xac: {  	s28 =	sadd.s32 $0x400, s28;
	v11 =	vld [tilespmem:s26+$0xC820]  }
0xad: {  	v13 =	vld [tilespmem:s26+$0xC830]  }
0xae: {  	v14 =	vld [tilespmem:s26+$0xC860]  }
0xaf: {  	v15 =	vld [tilespmem:s26+$0xC870];
	v6 =	vadd.f32 v10, v6  }
0xb0: {  	v10 =	vld [tilespmem:s26+$0xC8A0];
	v9 =	vadd.f32 v12, v9  }
0xb1: {  	v12 =	vld [tilespmem:s26+$0xC8B0];
	v8 =	vadd.f32 v11, v8;
	v4 =	vadd.f32 v4, v6  }
0xb2: {  	v6 =	vadd.f32 v13, v7;
	v7 =	vld [tilespmem:s26+$0xC8E0];
	v5 =	vadd.f32 v5, v9  }
0xb3: {  	v9 =	vld [tilespmem:s26+$0xC8F0];
	v8 =	vadd.f32 v14, v8;
	v2 =	vadd.f32 v2, v4  }
0xb4: {  	v4 =	vadd.f32 v15, v6;
	v3 =	vadd.f32 v3, v5  }
0xb5: {  	v5 =	vadd.f32 v10, v8;
	v0 =	vadd.f32 v0, v2  }
0xb6: {  	v2 =	vadd.f32 v12, v4;
	v1 =	vadd.f32 v1, v3  }
0xb7: {  	s25 =	sshll.u32 s25, $0x7;
	v3 =	vadd.f32 v7, v5;
	v0 =	vmul.f32 $4.999999890e-03, v0  }
0xb8: {  	s25 =	sand.u32 $0x3FFFFF80, s25;
	v2 =	vadd.f32 v9, v2;
	v1 =	vmul.f32 $4.999999890e-03, v1  }
0xb9: {  	[tilespmem:s25+$0x12C00] =	vst v0;
	v0 =	vmul.f32 $4.999999890e-03, v3  }
0xba: {  	[tilespmem:s25+$0x12C10] =	vst v1;
	v1 =	vmul.f32 $4.999999890e-03, v2  }
0xbb: {  	[tilespmem:s25+$0x12C20] =	vst v0  }
0xbc: {  	s26 =	simm.s32 $0x0;
	[tilespmem:s25+$0x12C30] =	vst v1  }
0xbd: {  	v0 =	vld [tilespmem:s26+$0xFAC0]  }
0xbe: {  	v1 =	vld [tilespmem:s26+$0xFAD0]  }
0xbf: {  	v2 =	vld [tilespmem:s26+$0xFA80]  }
0xc0: {  	v3 =	vld [tilespmem:s26+$0xFA90]  }
0xc1: {  	v4 =	vld [tilespmem:s26+$0xFA40]  }
0xc2: {  	v5 =	vld [tilespmem:s26+$0xFA50]  }
0xc3: {  	v10 =	vld [tilespmem:s26+$0xFA00]  }
0xc4: {  	v6 =	vimm.f32 $0.0e+00;
	v12 =	vld [tilespmem:s26+$0xFA10]  }
0xc5: {  	s28 =	simm.s32 $0x400;
	v8 =	vimm.f32 $0.0e+00;
	v7 =	vimm.f32 $0.0e+00;
	v9 =	vimm.f32 $0.0e+00;
	v11 =	vld [tilespmem:s26+$0xFA20]  }
.LBB2_9:
0xc6: {  	p0 =	sne.s32 s28, $0xC400;
	v13 =	vld [tilespmem:s26+$0xFA30]  }
0xc7: {  	v14 =	vld [tilespmem:s26+$0xFA60]  }
0xc8: {  	v15 =	vld [tilespmem:s26+$0xFA70]  }
0xc9: {  	v16 =	vld [tilespmem:s26+$0xFAA0]  }
0xca: {  	v6 =	vadd.f32 v10, v6;
	v9 =	vadd.f32 v12, v9;
	v10 =	vld [tilespmem:s26+$0xFAB0]  }
0xcb: {  	v8 =	vadd.f32 v11, v8;
	v7 =	vadd.f32 v13, v7;
	v11 =	vld [tilespmem:s26+$0xFAE0]  }
0xcc: {  	v4 =	vadd.f32 v4, v6;
	v5 =	vadd.f32 v5, v9;
	v12 =	vld [tilespmem:s26+$0xFAF0];
	s26 =	sshra.s32 s28, $0x2  }
0xcd: {  	v6 =	vadd.f32 v14, v8;
	v13 =	vld [tilespmem:s26+$0xFAC0];
	v7 =	vadd.f32 v15, v7  }
0xce: {  	v4 =	vadd.f32 v2, v4;
	v5 =	vadd.f32 v3, v5;
	v14 =	vld [tilespmem:s26+$0xFAD0]  }
0xcf: {  	v8 =	vadd.f32 v16, v6;
	v2 =	vld [tilespmem:s26+$0xFA80];
	v7 =	vadd.f32 v10, v7  }
0xd0: {  	v6 =	vadd.f32 v0, v4;
	v9 =	vadd.f32 v1, v5;
	v3 =	vld [tilespmem:s26+$0xFA90]  }
.Ltmp3:
0xd1: {  	v8 =	vadd.f32 v11, v8;
	v4 =	vld [tilespmem:s26+$0xFA40];
	v7 =	vadd.f32 v12, v7;
	(pc) =	sbr.rel @p0 .LBB2_9-.Ltmp3, $4  }
0xd2: {  	v5 =	vld [tilespmem:s26+$0xFA50];
	v0 =	vmov v13  }
0xd3: {  	v10 =	vld [tilespmem:s26+$0xFA00];
	v1 =	vmov v14  }
0xd4: {  	v12 =	vld [tilespmem:s26+$0xFA10]  }
0xd5: {  	s28 =	sadd.s32 $0x400, s28;
	v11 =	vld [tilespmem:s26+$0xFA20]  }
0xd6: {  	v13 =	vld [tilespmem:s26+$0xFA30]  }
0xd7: {  	v14 =	vld [tilespmem:s26+$0xFA60]  }
0xd8: {  	v15 =	vld [tilespmem:s26+$0xFA70];
	v6 =	vadd.f32 v10, v6  }
0xd9: {  	v53 =	vld [tilespmem:s26+$0xFAA0];
	v9 =	vadd.f32 v12, v9  }
0xda: {  	v54 =	vld [tilespmem:s26+$0xFAB0];
	v8 =	vadd.f32 v11, v8;
	v4 =	vadd.f32 v4, v6  }
0xdb: {  	v56 =	vld [tilespmem:s26+$0xFAE0];
	v55 =	vadd.f32 v13, v7;
	v5 =	vadd.f32 v5, v9  }
0xdc: {  	v57 =	vld [tilespmem:s26+$0xFAF0];
	v8 =	vadd.f32 v14, v8;
	v2 =	vadd.f32 v2, v4  }
0xdd: {  	v58 =	vadd.f32 v15, v55;
	v3 =	vadd.f32 v3, v5  }
0xde: {  	v59 =	vadd.f32 v53, v8;
	v0 =	vadd.f32 v0, v2  }
0xdf: {  	s24 =	sadd.s32 $0x1, s24;
	v60 =	vadd.f32 v54, v58;
	v1 =	vadd.f32 v1, v3  }
0xe0: {  	p0 =	sne.s32 s24, $0x20;
	v61 =	vadd.f32 v56, v59;
	v0 =	vmul.f32 $4.999999890e-03, v0  }
.Ltmp4:
0xe1: {  	v2 =	vadd.f32 v57, v60;
	v1 =	vmul.f32 $4.999999890e-03, v1;
	(pc) =	sbr.rel @p0 .LBB2_2-.Ltmp4, $4  }
0xe2: {  	[tilespmem:s25+$0x12C40] =	vst v0;
	v62 =	vmul.f32 $4.999999890e-03, v61  }
0xe3: {  	[tilespmem:s25+$0x12C50] =	vst v1;
	v63 =	vmul.f32 $4.999999890e-03, v2  }
0xe4: {  	[tilespmem:s25+$0x12C60] =	vst v62  }
0xe5: {  	[tilespmem:s25+$0x12C70] =	vst v63  }
0xe6: {  	_ =	swait.ge [sflag:s20], $0x2000  }
0xe7: {  	[sflag:s20] =	ssyncset.done $0x0  }
0xe8: {  	[sflag:s20] =	ssyncadd.s32 $0xFFFFE000  }
0xe9: {  	_ =	swait.ge [sflag:s20], $0x2000  }
0xea: {  	[sflag:s20] =	ssyncset.done $0x0  }
0xeb: {  	[sflag:s20] =	ssyncadd.s32 $0xFFFFE000  }
0xec: {  	_ =	swait.ge [sflag:s20], $0x2000  }
0xed: {  	[sflag:s20] =	ssyncset.done $0x0  }
0xee: {  	[sflag:s20] =	ssyncadd.s32 $0xFFFFE000  }
0xef: {  	s23 =	sadd.s32 $0x1, s23;
	_ =	swait.ge [sflag:s20], $0x400  }
0xf0: {  	p0 =	sne.s32 s23, s6;
	[sflag:s20] =	ssyncset.done $0x0  }
.Ltmp5:
0xf1: {  	[sflag:s20] =	ssyncadd.s32 $0xFFFFFC00;
	(pc) =	sbr.rel @p0 .LBB2_1-.Ltmp5, $4  }
0xf2: {  	[hbm4b:s5+s2] =	stream.linear.scatter [tilespmem:s22], [sflag:$0x3], $0x2000, $0x38;
	[tilespmem:$0x14C00] =	vst v63  }
0xf3: {  	_ =	swait.ge [sflag:s7], $0x2000  }
0xf4: {  	[sflag:s7] =	ssyncset.done $0x0  }
0xf5: {  	[sflag:s7] =	ssyncadd.s32 $0xFFFFE000  }
0xf6: {  	_ =	sfence.sel $0x180000  }
0xf7: {  	[bflag:$0x0] =	sbarrier.arrive $0xFFFF  }
0xf8: {  	p0 =	sne.s32 s0, $0x0;
	_ =	strace $0x90000047  }
0xf9: {  	s0 =	sadd.s32 @!p0 $0x100000, s1;
	[bflag:$0x2] =	sbarrier.arrive $0xFFFF  }
0xfa: {  	[sflag:s0] =	ssyncadd.tile.s32 @!p0 $0x1;
	_ =	shalt  }
.Lfunc_end2:
_tile_overlayer_lowered:
.L_overlay_start_2:
0xfb: {  	(tag) =	ssettag $0x2  }
0xfc: {  	s0 =	rddreg [dreg:$0x0];
	s2 =	stileid.u32  }
0xfd: {  	s1 =	rddreg [dreg:$0x1];
	p0 =	sne.s32 s2, $0x0  }
0xfe: {  	s3 =	rddreg [dreg:$0x2];
	[bflag:$0x3] =	sbarrier.arrive $0xFFFF;
	s2 =	simm.s32 @!p0 $0x1C03  }
0xff: {  	[timem:s3], [sflag:s2] =	dma.local @!p0 [hbm:s0], s1  }
0x100: {  	s0 =	simm.s32 @!p0 $0x3  }
0x101: {  	_ =	swait.ge @!p0 [sflag:s0], s1  }
0x102: {  	s1 =	ssub.s32 @!p0 $0x0, s1;
	[sflag:s0] =	ssyncset.done @!p0 $0x0  }
0x103: {  	[sflag:s0] =	ssyncadd.s32 @!p0 s1  }
0x104: {  	[bflag:$0x3] =	sbarrier.arrive $0xFFFF  }
0x105: {  	_ =	shalt  }

</sc_bundles>
